<compile_context>
chip_gen: v7x
topology: tpu7x:2x2x1
jax: 0.10.2.dev20260603
libtpu: 0.0.44.dev20260713+nightly
codegen_flags: <defaults>
</compile_context>

<pallas_src>
import dataclasses
import functools

import jax
import jax.numpy as jnp
from jax import lax
from jax.experimental import pallas as pl
from jax.experimental.pallas import tpu as pltpu
from jax.experimental.pallas import tpu_sc as plsc

ROWS = 8192
DIM = 2048
NUM_EXPERTS = 64
K = 8
BM = 1024

NC, NS, L = 2, 16, 16
NW = NC * NS
RPW = ROWS // NW


def _score_kernel(x_ref, w_ref, bias_ref, s_ref):
    logits = lax.dot_general(
        x_ref[...], w_ref[...],
        dimension_numbers=(((1,), (1,)), ((), ())),
        preferred_element_type=jnp.float32,
    )
    m = jnp.max(logits, axis=1, keepdims=True)
    e = jnp.exp(logits - m)
    p = e / jnp.sum(e, axis=1, keepdims=True)
    s_ref[...] = p + bias_ref[...]


def _scores_tc(x, weights, bias2):
    return pl.pallas_call(
        _score_kernel,
        grid=(ROWS // BM,),
        in_specs=[
            pl.BlockSpec((BM, DIM), lambda i: (i, 0)),
            pl.BlockSpec((NUM_EXPERTS, DIM), lambda i: (0, 0)),
            pl.BlockSpec((1, NUM_EXPERTS), lambda i: (0, 0)),
        ],
        out_specs=pl.BlockSpec((BM, NUM_EXPERTS), lambda i: (i, 0)),
        out_shape=jax.ShapeDtypeStruct((ROWS, NUM_EXPERTS), jnp.float32),
    )(x, weights, bias2)


def _merge16(ka, va, kb, vb):
    rk = lax.rev(kb, (0,))
    rv = lax.rev(vb, (0,))
    m = ka >= rk
    mk = jnp.where(m, ka, rk)
    mv = jnp.where(m, va, rv)
    return plsc.sort_key_val(mk, mv, descending=True)


_SC_PARAMS = pltpu.CompilerParams()
if "needs_layout_passes" in pltpu.CompilerParams.__dataclass_fields__:
    _SC_PARAMS = dataclasses.replace(_SC_PARAMS, needs_layout_passes=False)


@functools.partial(
    pl.kernel,
    compiler_params=_SC_PARAMS,
    out_type=[
        jax.ShapeDtypeStruct((ROWS, L), jnp.float32),
        jax.ShapeDtypeStruct((ROWS, L), jnp.int32),
    ],
    mesh=plsc.VectorSubcoreMesh(core_axis_name="c", subcore_axis_name="s"),
    scratch_types=[
        pltpu.VMEM((RPW, NUM_EXPERTS), jnp.float32),
        pltpu.VMEM((RPW, L), jnp.float32),
        pltpu.VMEM((RPW, L), jnp.int32),
        pltpu.SemaphoreType.DMA,
        pltpu.SemaphoreType.DMA,
    ],
)
def _topk_sc(s_hbm, w_hbm, i_hbm, s_v, w_v, i_v, sem, sem2):
    wid = lax.axis_index("s") * NC + lax.axis_index("c")
    base = wid * RPW
    half = RPW // 2
    c0 = pltpu.async_copy(
        s_hbm.at[pl.ds(base, half)], s_v.at[pl.ds(0, half)], sem)
    c1 = pltpu.async_copy(
        s_hbm.at[pl.ds(base + half, half)], s_v.at[pl.ds(half, half)], sem2)
    iota = lax.iota(jnp.int32, L)
    c0.wait()

    @pl.loop(0, half)
    def _(r):
        ks, vs = [], []
        for j in range(NUM_EXPERTS // L):
            kj = s_v[r, pl.ds(j * L, L)]
            kj, vj = plsc.sort_key_val(kj, iota + (j * L), descending=True)
            ks.append(kj)
            vs.append(vj)
        k01, v01 = _merge16(ks[0], vs[0], ks[1], vs[1])
        k23, v23 = _merge16(ks[2], vs[2], ks[3], vs[3])
        kf, vf = _merge16(k01, v01, k23, v23)
        w_v[r, :] = kf
        i_v[r, :] = vf

    c1.wait()

    @pl.loop(half, RPW)
    def _(r):
        ks, vs = [], []
        for j in range(NUM_EXPERTS // L):
            kj = s_v[r, pl.ds(j * L, L)]
            kj, vj = plsc.sort_key_val(kj, iota + (j * L), descending=True)
            ks.append(kj)
            vs.append(vj)
        k01, v01 = _merge16(ks[0], vs[0], ks[1], vs[1])
        k23, v23 = _merge16(ks[2], vs[2], ks[3], vs[3])
        kf, vf = _merge16(k01, v01, k23, v23)
        w_v[r, :] = kf
        i_v[r, :] = vf

    cw = pltpu.async_copy(w_v, w_hbm.at[pl.ds(base, RPW)], sem)
    ci = pltpu.async_copy(i_v, i_hbm.at[pl.ds(base, RPW)], sem2)
    cw.wait()
    ci.wait()


@jax.jit
def kernel(x, weights, bias):
    bias2 = bias.reshape(1, NUM_EXPERTS)
    scores = _scores_tc(x, weights, bias2)
    w16, i16 = _topk_sc(scores)
    return w16[:, :K], i16[:, :K]

# --- scband reference (transcript-rebuilt; emitter-appended) ---
"""Pipeline reference for scband-gate-33827162423867 (READ-ONLY COPY).

The authoritative reference and input builder live on the scoring server;
editing this copy changes nothing except your own understanding.
"""

import jax, jax.numpy as jnp
import numpy as np

DIM = 2048
NUM_EXPERTS = 64
SELECT_EXPERT = 8
ROUTE_SCALE = 1.0

def setup_inputs(seed: int = 0) -> dict:
    key = jax.random.key(seed)
    k1, k2, k3 = jax.random.split(key, 3)
    x = jax.random.normal(k1, (8192, DIM), dtype=jnp.float32)
    weights = jax.random.normal(k2, (NUM_EXPERTS, DIM), dtype=jnp.float32)
    bias = jax.random.normal(k3, (NUM_EXPERTS,), dtype=jnp.float32)
    return {"x": x, "weights": weights, "bias": bias}

def reference(x, weights, bias):
    # score = F.linear(x, weights) -> x @ weights.T
    score = jnp.dot(x, weights.T)
    # score_func == 'softmax'
    score = jax.nn.softmax(score, axis=-1)
    # `if self.bias:` in torch is intended as a bias-add when bias exists
    score = score + bias
    original_scores = score
    # topk over experts, take indices, gather weights from original scores
    _, indices = jax.lax.top_k(score, SELECT_EXPERT)
    w = jnp.take_along_axis(original_scores, indices, axis=1)
    w = w * ROUTE_SCALE
    return (w.astype(x.dtype), indices)

if __name__ == "__main__":
    import jax
    _d = setup_inputs()
    print(jax.jit(kernel)(*tuple(_d.values())))

</pallas_src>

<mosaic_0001>
#map = affine_map<(d0, d1) -> (0, 0)>
module attributes {stable_mosaic.version = 14 : i64} {
  func.func @_topk_sc(%arg0: i32, %arg1: i32, %arg2: memref<8192x64xf32, #tpu.memory_space<hbm>>, %arg3: memref<8192x16xf32, #tpu.memory_space<hbm>>, %arg4: memref<8192x16xi32, #tpu.memory_space<hbm>>, %arg5: memref<256x64xf32, #tpu.memory_space<vmem>>, %arg6: memref<256x16xf32, #tpu.memory_space<vmem>>, %arg7: memref<256x16xi32, #tpu.memory_space<vmem>>, %arg8: memref<!tpu.dma_semaphore, #tpu.memory_space<semaphore_mem>>, %arg9: memref<!tpu.dma_semaphore, #tpu.memory_space<semaphore_mem>>) attributes {dimension_semantics = [#tpu.dimension_semantics<core_parallel>, #tpu.dimension_semantics<subcore_parallel>], iteration_bounds = array<i64: 2, 16>, scalar_prefetch = 0 : i64, scratch_operands = 5 : i64, tpu.core_type = #tpu.core_type<sc_vector_subcore>, window_params = [{transform_indices = #map}, {transform_indices = #map}, {transform_indices = #map}]} {
    %mul3A = arith.constant 2 : i32
    %mul3A_0 = arith.muli %arg1, %mul3A : i32
    %add3A = arith.addi %mul3A_0, %arg0 : i32
    %mul3A_1 = arith.constant 256 : i32
    %mul3A_2 = arith.muli %add3A, %mul3A_1 : i32
    %dma_start3A = arith.constant 0 : i32
    %dma_start3A_3 = arith.constant 0 : i32
    %dma_start3A_4 = tpu.memref_slice %arg5[%dma_start3A, %dma_start3A_3] : memref<256x64xf32, #tpu.memory_space<vmem>> -> memref<128x64xf32, #tpu.memory_space<vmem>>
    %dma_start3A_5 = arith.constant 0 : i32
    %dma_start3A_6 = tpu.memref_slice %arg2[%mul3A_2, %dma_start3A_5] : memref<8192x64xf32, #tpu.memory_space<hbm>> -> memref<128x64xf32, #tpu.memory_space<hbm>>
    %dma_start3A_7 = arith.constant 0 : i32
    %dma_start3A_8 = arith.constant 0 : i32
    %dma_start3A_9 = tpu.memref_slice %arg5[%dma_start3A_7, %dma_start3A_8] : memref<256x64xf32, #tpu.memory_space<vmem>> -> memref<128x64xf32, #tpu.memory_space<vmem>>
    %dma_start3A_10 = arith.constant 0 : i32
    %dma_start3A_11 = tpu.memref_slice %arg2[%mul3A_2, %dma_start3A_10] : memref<8192x64xf32, #tpu.memory_space<hbm>> -> memref<128x64xf32, #tpu.memory_space<hbm>>
    tpu.enqueue_dma source(%dma_start3A_11 : memref<128x64xf32, #tpu.memory_space<hbm>>) target(%dma_start3A_9 : memref<128x64xf32, #tpu.memory_space<vmem>>) target_semaphore(%arg8 : memref<!tpu.dma_semaphore, #tpu.memory_space<semaphore_mem>>)
    %add3A_12 = arith.constant 128 : i32
    %add3A_13 = arith.addi %mul3A_2, %add3A_12 : i32
    %dma_start3A_14 = arith.constant 128 : i32
    %dma_start3A_15 = arith.constant 0 : i32
    %dma_start3A_16 = tpu.memref_slice %arg5[%dma_start3A_14, %dma_start3A_15] : memref<256x64xf32, #tpu.memory_space<vmem>> -> memref<128x64xf32, #tpu.memory_space<vmem>>
    %dma_start3A_17 = arith.constant 0 : i32
    %dma_start3A_18 = tpu.memref_slice %arg2[%add3A_13, %dma_start3A_17] : memref<8192x64xf32, #tpu.memory_space<hbm>> -> memref<128x64xf32, #tpu.memory_space<hbm>>
    %dma_start3A_19 = arith.constant 128 : i32
    %dma_start3A_20 = arith.constant 0 : i32
    %dma_start3A_21 = tpu.memref_slice %arg5[%dma_start3A_19, %dma_start3A_20] : memref<256x64xf32, #tpu.memory_space<vmem>> -> memref<128x64xf32, #tpu.memory_space<vmem>>
    %dma_start3A_22 = arith.constant 0 : i32
    %dma_start3A_23 = tpu.memref_slice %arg2[%add3A_13, %dma_start3A_22] : memref<8192x64xf32, #tpu.memory_space<hbm>> -> memref<128x64xf32, #tpu.memory_space<hbm>>
    tpu.enqueue_dma source(%dma_start3A_23 : memref<128x64xf32, #tpu.memory_space<hbm>>) target(%dma_start3A_21 : memref<128x64xf32, #tpu.memory_space<vmem>>) target_semaphore(%arg9 : memref<!tpu.dma_semaphore, #tpu.memory_space<semaphore_mem>>)
    %iota3A = tpu.iota {dimensions = array<i32: 0>} : vector<16xi32>
    %dma_wait3A = arith.constant 0 : i32
    %dma_wait3A_24 = arith.constant 0 : i32
    %dma_wait3A_25 = tpu.memref_slice %arg5[%dma_wait3A, %dma_wait3A_24] : memref<256x64xf32, #tpu.memory_space<vmem>> -> memref<128x64xf32, #tpu.memory_space<vmem>>
    %dma_wait3A_26 = arith.constant 0 : i32
    %dma_wait3A_27 = tpu.memref_slice %arg2[%mul3A_2, %dma_wait3A_26] : memref<8192x64xf32, #tpu.memory_space<hbm>> -> memref<128x64xf32, #tpu.memory_space<hbm>>
    %dma_wait3A_28 = arith.constant 0 : i32
    %dma_wait3A_29 = arith.constant 0 : i32
    %dma_wait3A_30 = tpu.memref_slice %arg5[%dma_wait3A_28, %dma_wait3A_29] : memref<256x64xf32, #tpu.memory_space<vmem>> -> memref<128x64xf32, #tpu.memory_space<vmem>>
    %dma_wait3A_31 = arith.constant 0 : i32
    %dma_wait3A_32 = tpu.memref_slice %arg2[%mul3A_2, %dma_wait3A_31] : memref<8192x64xf32, #tpu.memory_space<hbm>> -> memref<128x64xf32, #tpu.memory_space<hbm>>
    tpu.wait_dma2 semaphore(%arg8 : memref<!tpu.dma_semaphore, #tpu.memory_space<semaphore_mem>>) src(%dma_wait3A_32 : memref<128x64xf32, #tpu.memory_space<hbm>>) dst(%dma_wait3A_30 : memref<128x64xf32, #tpu.memory_space<vmem>>)
    %scan3A = arith.constant 0 : i32
    %scan3A_33 = arith.constant 128 : i32
    %scan3A_34 = arith.addi %scan3A, %scan3A_33 : i32
    %scan3A_35 = arith.constant 1 : i32
    scf.for %scan3A_68 = %scan3A to %scan3A_34 step %scan3A_35  : i32 {
      %mul3A_69 = arith.constant 1 : i32
      %mul3A_70 = arith.muli %scan3A_68, %mul3A_69 : i32
      %add3A_71 = arith.constant 0 : i32
      %add3A_72 = arith.addi %add3A_71, %mul3A_70 : i32
      %get3A = arith.index_cast %add3A_72 : i32 to index
      %get3A_73 = arith.constant 0 : index
      %get3A_74 = tpu.vector_load %arg5[%get3A, %get3A_73] {strides = array<i32>} : memref<256x64xf32, #tpu.memory_space<vmem>>, vector<16xf32>,
      %add3A_75 = arith.constant 0 : i32
      %add3A_76 = vector.broadcast %add3A_75 : i32 to vector<16xi32>
      %add3A_77 = arith.addi %iota3A, %add3A_76 : vector<16xi32>
      %masked_sort3A = arith.constant dense<true> : vector<16xi1>
      %masked_sort3A_78, %masked_sort3A_79, %masked_sort3A_80 = tpu.sort %get3A_74, %add3A_77 masked %masked_sort3A {descending = true} : (vector<16xf32>, vector<16xi32>, vector<16xi1>) -> (vector<16xi1>, vector<16xf32>, vector<16xi32>)
      %get3A_81 = arith.index_cast %add3A_72 : i32 to index
      %get3A_82 = arith.constant 16 : index
      %get3A_83 = tpu.vector_load %arg5[%get3A_81, %get3A_82] {strides = array<i32>} : memref<256x64xf32, #tpu.memory_space<vmem>>, vector<16xf32>,
      %add3A_84 = arith.constant 16 : i32
      %add3A_85 = vector.broadcast %add3A_84 : i32 to vector<16xi32>
      %add3A_86 = arith.addi %iota3A, %add3A_85 : vector<16xi32>
      %masked_sort3A_87 = arith.constant dense<true> : vector<16xi1>
      %masked_sort3A_88, %masked_sort3A_89, %masked_sort3A_90 = tpu.sort %get3A_83, %add3A_86 masked %masked_sort3A_87 {descending = true} : (vector<16xf32>, vector<16xi32>, vector<16xi1>) -> (vector<16xi1>, vector<16xf32>, vector<16xi32>)
      %get3A_91 = arith.index_cast %add3A_72 : i32 to index
      %get3A_92 = arith.constant 32 : index
      %get3A_93 = tpu.vector_load %arg5[%get3A_91, %get3A_92] {strides = array<i32>} : memref<256x64xf32, #tpu.memory_space<vmem>>, vector<16xf32>,
      %add3A_94 = arith.constant 32 : i32
      %add3A_95 = vector.broadcast %add3A_94 : i32 to vector<16xi32>
      %add3A_96 = arith.addi %iota3A, %add3A_95 : vector<16xi32>
      %masked_sort3A_97 = arith.constant dense<true> : vector<16xi1>
      %masked_sort3A_98, %masked_sort3A_99, %masked_sort3A_100 = tpu.sort %get3A_93, %add3A_96 masked %masked_sort3A_97 {descending = true} : (vector<16xf32>, vector<16xi32>, vector<16xi1>) -> (vector<16xi1>, vector<16xf32>, vector<16xi32>)
      %get3A_101 = arith.index_cast %add3A_72 : i32 to index
      %get3A_102 = arith.constant 48 : index
      %get3A_103 = tpu.vector_load %arg5[%get3A_101, %get3A_102] {strides = array<i32>} : memref<256x64xf32, #tpu.memory_space<vmem>>, vector<16xf32>,
      %add3A_104 = arith.constant 48 : i32
      %add3A_105 = vector.broadcast %add3A_104 : i32 to vector<16xi32>
      %add3A_106 = arith.addi %iota3A, %add3A_105 : vector<16xi32>
      %masked_sort3A_107 = arith.constant dense<true> : vector<16xi1>
      %masked_sort3A_108, %masked_sort3A_109, %masked_sort3A_110 = tpu.sort %get3A_103, %add3A_106 masked %masked_sort3A_107 {descending = true} : (vector<16xf32>, vector<16xi32>, vector<16xi1>) -> (vector<16xi1>, vector<16xf32>, vector<16xi32>)
      %rev3A = arith.constant 15 : i32
      %rev3A_111 = vector.broadcast %rev3A : i32 to vector<16xi32>
      %rev3A_112 = tpu.iota {dimensions = array<i32: 0>} : vector<16xi32>
      %rev3A_113 = arith.subi %rev3A_111, %rev3A_112 : vector<16xi32>
      %rev3A_114 = tpu.dynamic_gather %masked_sort3A_89[%rev3A_113] in [0] : vector<16xf32>, vector<16xi32> -> vector<16xf32>
      %rev3A_115 = arith.constant 15 : i32
      %rev3A_116 = vector.broadcast %rev3A_115 : i32 to vector<16xi32>
      %rev3A_117 = tpu.iota {dimensions = array<i32: 0>} : vector<16xi32>
      %rev3A_118 = arith.subi %rev3A_116, %rev3A_117 : vector<16xi32>
      %rev3A_119 = tpu.dynamic_gather %masked_sort3A_90[%rev3A_118] in [0] : vector<16xi32>, vector<16xi32> -> vector<16xi32>
      %ge3A = arith.cmpf oge, %masked_sort3A_79, %rev3A_114 : vector<16xf32>
      %select_n3A = arith.select %ge3A, %masked_sort3A_79, %rev3A_114 : vector<16xi1>, vector<16xf32>
      %select_n3A_120 = arith.select %ge3A, %masked_sort3A_80, %rev3A_119 : vector<16xi1>, vector<16xi32>
      %masked_sort3A_121 = arith.constant dense<true> : vector<16xi1>
      %masked_sort3A_122, %masked_sort3A_123, %masked_sort3A_124 = tpu.sort %select_n3A, %select_n3A_120 masked %masked_sort3A_121 {descending = true} : (vector<16xf32>, vector<16xi32>, vector<16xi1>) -> (vector<16xi1>, vector<16xf32>, vector<16xi32>)
      %rev3A_125 = arith.constant 15 : i32
      %rev3A_126 = vector.broadcast %rev3A_125 : i32 to vector<16xi32>
      %rev3A_127 = tpu.iota {dimensions = array<i32: 0>} : vector<16xi32>
      %rev3A_128 = arith.subi %rev3A_126, %rev3A_127 : vector<16xi32>
      %rev3A_129 = tpu.dynamic_gather %masked_sort3A_109[%rev3A_128] in [0] : vector<16xf32>, vector<16xi32> -> vector<16xf32>
      %rev3A_130 = arith.constant 15 : i32
      %rev3A_131 = vector.broadcast %rev3A_130 : i32 to vector<16xi32>
      %rev3A_132 = tpu.iota {dimensions = array<i32: 0>} : vector<16xi32>
      %rev3A_133 = arith.subi %rev3A_131, %rev3A_132 : vector<16xi32>
      %rev3A_134 = tpu.dynamic_gather %masked_sort3A_110[%rev3A_133] in [0] : vector<16xi32>, vector<16xi32> -> vector<16xi32>
      %ge3A_135 = arith.cmpf oge, %masked_sort3A_99, %rev3A_129 : vector<16xf32>
      %select_n3A_136 = arith.select %ge3A_135, %masked_sort3A_99, %rev3A_129 : vector<16xi1>, vector<16xf32>
      %select_n3A_137 = arith.select %ge3A_135, %masked_sort3A_100, %rev3A_134 : vector<16xi1>, vector<16xi32>
      %masked_sort3A_138 = arith.constant dense<true> : vector<16xi1>
      %masked_sort3A_139, %masked_sort3A_140, %masked_sort3A_141 = tpu.sort %select_n3A_136, %select_n3A_137 masked %masked_sort3A_138 {descending = true} : (vector<16xf32>, vector<16xi32>, vector<16xi1>) -> (vector<16xi1>, vector<16xf32>, vector<16xi32>)
      %rev3A_142 = arith.constant 15 : i32
      %rev3A_143 = vector.broadcast %rev3A_142 : i32 to vector<16xi32>
      %rev3A_144 = tpu.iota {dimensions = array<i32: 0>} : vector<16xi32>
      %rev3A_145 = arith.subi %rev3A_143, %rev3A_144 : vector<16xi32>
      %rev3A_146 = tpu.dynamic_gather %masked_sort3A_140[%rev3A_145] in [0] : vector<16xf32>, vector<16xi32> -> vector<16xf32>
      %rev3A_147 = arith.constant 15 : i32
      %rev3A_148 = vector.broadcast %rev3A_147 : i32 to vector<16xi32>
      %rev3A_149 = tpu.iota {dimensions = array<i32: 0>} : vector<16xi32>
      %rev3A_150 = arith.subi %rev3A_148, %rev3A_149 : vector<16xi32>
      %rev3A_151 = tpu.dynamic_gather %masked_sort3A_141[%rev3A_150] in [0] : vector<16xi32>, vector<16xi32> -> vector<16xi32>
      %ge3A_152 = arith.cmpf oge, %masked_sort3A_123, %rev3A_146 : vector<16xf32>
      %select_n3A_153 = arith.select %ge3A_152, %masked_sort3A_123, %rev3A_146 : vector<16xi1>, vector<16xf32>
      %select_n3A_154 = arith.select %ge3A_152, %masked_sort3A_124, %rev3A_151 : vector<16xi1>, vector<16xi32>
      %masked_sort3A_155 = arith.constant dense<true> : vector<16xi1>
      %masked_sort3A_156, %masked_sort3A_157, %masked_sort3A_158 = tpu.sort %select_n3A_153, %select_n3A_154 masked %masked_sort3A_155 {descending = true} : (vector<16xf32>, vector<16xi32>, vector<16xi1>) -> (vector<16xi1>, vector<16xf32>, vector<16xi32>)
      %swap3A = arith.index_cast %add3A_72 : i32 to index
      %swap3A_159 = arith.constant 0 : index
      %swap3A_160 = tpu.vector_load %arg6[%swap3A, %swap3A_159] {strides = array<i32>} : memref<256x16xf32, #tpu.memory_space<vmem>>, vector<16xf32>,
      tpu.vector_store %arg6[%swap3A, %swap3A_159], %masked_sort3A_157 {strides = array<i32>} : memref<256x16xf32, #tpu.memory_space<vmem>>, vector<16xf32>,
      %swap3A_161 = arith.index_cast %add3A_72 : i32 to index
      %swap3A_162 = arith.constant 0 : index
      %swap3A_163 = tpu.vector_load %arg7[%swap3A_161, %swap3A_162] {strides = array<i32>} : memref<256x16xi32, #tpu.memory_space<vmem>>, vector<16xi32>,
      tpu.vector_store %arg7[%swap3A_161, %swap3A_162], %masked_sort3A_158 {strides = array<i32>} : memref<256x16xi32, #tpu.memory_space<vmem>>, vector<16xi32>,
    }
    %scan3A_36 = arith.constant 128 : i32
    %dma_wait3A_37 = arith.constant 128 : i32
    %dma_wait3A_38 = arith.constant 0 : i32
    %dma_wait3A_39 = tpu.memref_slice %arg5[%dma_wait3A_37, %dma_wait3A_38] : memref<256x64xf32, #tpu.memory_space<vmem>> -> memref<128x64xf32, #tpu.memory_space<vmem>>
    %dma_wait3A_40 = arith.constant 0 : i32
    %dma_wait3A_41 = tpu.memref_slice %arg2[%add3A_13, %dma_wait3A_40] : memref<8192x64xf32, #tpu.memory_space<hbm>> -> memref<128x64xf32, #tpu.memory_space<hbm>>
    %dma_wait3A_42 = arith.constant 128 : i32
    %dma_wait3A_43 = arith.constant 0 : i32
    %dma_wait3A_44 = tpu.memref_slice %arg5[%dma_wait3A_42, %dma_wait3A_43] : memref<256x64xf32, #tpu.memory_space<vmem>> -> memref<128x64xf32, #tpu.memory_space<vmem>>
    %dma_wait3A_45 = arith.constant 0 : i32
    %dma_wait3A_46 = tpu.memref_slice %arg2[%add3A_13, %dma_wait3A_45] : memref<8192x64xf32, #tpu.memory_space<hbm>> -> memref<128x64xf32, #tpu.memory_space<hbm>>
    tpu.wait_dma2 semaphore(%arg9 : memref<!tpu.dma_semaphore, #tpu.memory_space<semaphore_mem>>) src(%dma_wait3A_46 : memref<128x64xf32, #tpu.memory_space<hbm>>) dst(%dma_wait3A_44 : memref<128x64xf32, #tpu.memory_space<vmem>>)
    %scan3A_47 = arith.constant 0 : i32
    %scan3A_48 = arith.constant 128 : i32
    %scan3A_49 = arith.addi %scan3A_47, %scan3A_48 : i32
    %scan3A_50 = arith.constant 1 : i32
    scf.for %scan3A_68 = %scan3A_47 to %scan3A_49 step %scan3A_50  : i32 {
      %mul3A_69 = arith.constant 1 : i32
      %mul3A_70 = arith.muli %scan3A_68, %mul3A_69 : i32
      %add3A_71 = arith.constant 128 : i32
      %add3A_72 = arith.addi %add3A_71, %mul3A_70 : i32
      %get3A = arith.index_cast %add3A_72 : i32 to index
      %get3A_73 = arith.constant 0 : index
      %get3A_74 = tpu.vector_load %arg5[%get3A, %get3A_73] {strides = array<i32>} : memref<256x64xf32, #tpu.memory_space<vmem>>, vector<16xf32>,
      %add3A_75 = arith.constant 0 : i32
      %add3A_76 = vector.broadcast %add3A_75 : i32 to vector<16xi32>
      %add3A_77 = arith.addi %iota3A, %add3A_76 : vector<16xi32>
      %masked_sort3A = arith.constant dense<true> : vector<16xi1>
      %masked_sort3A_78, %masked_sort3A_79, %masked_sort3A_80 = tpu.sort %get3A_74, %add3A_77 masked %masked_sort3A {descending = true} : (vector<16xf32>, vector<16xi32>, vector<16xi1>) -> (vector<16xi1>, vector<16xf32>, vector<16xi32>)
      %get3A_81 = arith.index_cast %add3A_72 : i32 to index
      %get3A_82 = arith.constant 16 : index
      %get3A_83 = tpu.vector_load %arg5[%get3A_81, %get3A_82] {strides = array<i32>} : memref<256x64xf32, #tpu.memory_space<vmem>>, vector<16xf32>,
      %add3A_84 = arith.constant 16 : i32
      %add3A_85 = vector.broadcast %add3A_84 : i32 to vector<16xi32>
      %add3A_86 = arith.addi %iota3A, %add3A_85 : vector<16xi32>
      %masked_sort3A_87 = arith.constant dense<true> : vector<16xi1>
      %masked_sort3A_88, %masked_sort3A_89, %masked_sort3A_90 = tpu.sort %get3A_83, %add3A_86 masked %masked_sort3A_87 {descending = true} : (vector<16xf32>, vector<16xi32>, vector<16xi1>) -> (vector<16xi1>, vector<16xf32>, vector<16xi32>)
      %get3A_91 = arith.index_cast %add3A_72 : i32 to index
      %get3A_92 = arith.constant 32 : index
      %get3A_93 = tpu.vector_load %arg5[%get3A_91, %get3A_92] {strides = array<i32>} : memref<256x64xf32, #tpu.memory_space<vmem>>, vector<16xf32>,
      %add3A_94 = arith.constant 32 : i32
      %add3A_95 = vector.broadcast %add3A_94 : i32 to vector<16xi32>
      %add3A_96 = arith.addi %iota3A, %add3A_95 : vector<16xi32>
      %masked_sort3A_97 = arith.constant dense<true> : vector<16xi1>
      %masked_sort3A_98, %masked_sort3A_99, %masked_sort3A_100 = tpu.sort %get3A_93, %add3A_96 masked %masked_sort3A_97 {descending = true} : (vector<16xf32>, vector<16xi32>, vector<16xi1>) -> (vector<16xi1>, vector<16xf32>, vector<16xi32>)
      %get3A_101 = arith.index_cast %add3A_72 : i32 to index
      %get3A_102 = arith.constant 48 : index
      %get3A_103 = tpu.vector_load %arg5[%get3A_101, %get3A_102] {strides = array<i32>} : memref<256x64xf32, #tpu.memory_space<vmem>>, vector<16xf32>,
      %add3A_104 = arith.constant 48 : i32
      %add3A_105 = vector.broadcast %add3A_104 : i32 to vector<16xi32>
      %add3A_106 = arith.addi %iota3A, %add3A_105 : vector<16xi32>
      %masked_sort3A_107 = arith.constant dense<true> : vector<16xi1>
      %masked_sort3A_108, %masked_sort3A_109, %masked_sort3A_110 = tpu.sort %get3A_103, %add3A_106 masked %masked_sort3A_107 {descending = true} : (vector<16xf32>, vector<16xi32>, vector<16xi1>) -> (vector<16xi1>, vector<16xf32>, vector<16xi32>)
      %rev3A = arith.constant 15 : i32
      %rev3A_111 = vector.broadcast %rev3A : i32 to vector<16xi32>
      %rev3A_112 = tpu.iota {dimensions = array<i32: 0>} : vector<16xi32>
      %rev3A_113 = arith.subi %rev3A_111, %rev3A_112 : vector<16xi32>
      %rev3A_114 = tpu.dynamic_gather %masked_sort3A_89[%rev3A_113] in [0] : vector<16xf32>, vector<16xi32> -> vector<16xf32>
      %rev3A_115 = arith.constant 15 : i32
      %rev3A_116 = vector.broadcast %rev3A_115 : i32 to vector<16xi32>
      %rev3A_117 = tpu.iota {dimensions = array<i32: 0>} : vector<16xi32>
      %rev3A_118 = arith.subi %rev3A_116, %rev3A_117 : vector<16xi32>
      %rev3A_119 = tpu.dynamic_gather %masked_sort3A_90[%rev3A_118] in [0] : vector<16xi32>, vector<16xi32> -> vector<16xi32>
      %ge3A = arith.cmpf oge, %masked_sort3A_79, %rev3A_114 : vector<16xf32>
      %select_n3A = arith.select %ge3A, %masked_sort3A_79, %rev3A_114 : vector<16xi1>, vector<16xf32>
      %select_n3A_120 = arith.select %ge3A, %masked_sort3A_80, %rev3A_119 : vector<16xi1>, vector<16xi32>
      %masked_sort3A_121 = arith.constant dense<true> : vector<16xi1>
      %masked_sort3A_122, %masked_sort3A_123, %masked_sort3A_124 = tpu.sort %select_n3A, %select_n3A_120 masked %masked_sort3A_121 {descending = true} : (vector<16xf32>, vector<16xi32>, vector<16xi1>) -> (vector<16xi1>, vector<16xf32>, vector<16xi32>)
      %rev3A_125 = arith.constant 15 : i32
      %rev3A_126 = vector.broadcast %rev3A_125 : i32 to vector<16xi32>
      %rev3A_127 = tpu.iota {dimensions = array<i32: 0>} : vector<16xi32>
      %rev3A_128 = arith.subi %rev3A_126, %rev3A_127 : vector<16xi32>
      %rev3A_129 = tpu.dynamic_gather %masked_sort3A_109[%rev3A_128] in [0] : vector<16xf32>, vector<16xi32> -> vector<16xf32>
      %rev3A_130 = arith.constant 15 : i32
      %rev3A_131 = vector.broadcast %rev3A_130 : i32 to vector<16xi32>
      %rev3A_132 = tpu.iota {dimensions = array<i32: 0>} : vector<16xi32>
      %rev3A_133 = arith.subi %rev3A_131, %rev3A_132 : vector<16xi32>
      %rev3A_134 = tpu.dynamic_gather %masked_sort3A_110[%rev3A_133] in [0] : vector<16xi32>, vector<16xi32> -> vector<16xi32>
      %ge3A_135 = arith.cmpf oge, %masked_sort3A_99, %rev3A_129 : vector<16xf32>
      %select_n3A_136 = arith.select %ge3A_135, %masked_sort3A_99, %rev3A_129 : vector<16xi1>, vector<16xf32>
      %select_n3A_137 = arith.select %ge3A_135, %masked_sort3A_100, %rev3A_134 : vector<16xi1>, vector<16xi32>
      %masked_sort3A_138 = arith.constant dense<true> : vector<16xi1>
      %masked_sort3A_139, %masked_sort3A_140, %masked_sort3A_141 = tpu.sort %select_n3A_136, %select_n3A_137 masked %masked_sort3A_138 {descending = true} : (vector<16xf32>, vector<16xi32>, vector<16xi1>) -> (vector<16xi1>, vector<16xf32>, vector<16xi32>)
      %rev3A_142 = arith.constant 15 : i32
      %rev3A_143 = vector.broadcast %rev3A_142 : i32 to vector<16xi32>
      %rev3A_144 = tpu.iota {dimensions = array<i32: 0>} : vector<16xi32>
      %rev3A_145 = arith.subi %rev3A_143, %rev3A_144 : vector<16xi32>
      %rev3A_146 = tpu.dynamic_gather %masked_sort3A_140[%rev3A_145] in [0] : vector<16xf32>, vector<16xi32> -> vector<16xf32>
      %rev3A_147 = arith.constant 15 : i32
      %rev3A_148 = vector.broadcast %rev3A_147 : i32 to vector<16xi32>
      %rev3A_149 = tpu.iota {dimensions = array<i32: 0>} : vector<16xi32>
      %rev3A_150 = arith.subi %rev3A_148, %rev3A_149 : vector<16xi32>
      %rev3A_151 = tpu.dynamic_gather %masked_sort3A_141[%rev3A_150] in [0] : vector<16xi32>, vector<16xi32> -> vector<16xi32>
      %ge3A_152 = arith.cmpf oge, %masked_sort3A_123, %rev3A_146 : vector<16xf32>
      %select_n3A_153 = arith.select %ge3A_152, %masked_sort3A_123, %rev3A_146 : vector<16xi1>, vector<16xf32>
      %select_n3A_154 = arith.select %ge3A_152, %masked_sort3A_124, %rev3A_151 : vector<16xi1>, vector<16xi32>
      %masked_sort3A_155 = arith.constant dense<true> : vector<16xi1>
      %masked_sort3A_156, %masked_sort3A_157, %masked_sort3A_158 = tpu.sort %select_n3A_153, %select_n3A_154 masked %masked_sort3A_155 {descending = true} : (vector<16xf32>, vector<16xi32>, vector<16xi1>) -> (vector<16xi1>, vector<16xf32>, vector<16xi32>)
      %swap3A = arith.index_cast %add3A_72 : i32 to index
      %swap3A_159 = arith.constant 0 : index
      %swap3A_160 = tpu.vector_load %arg6[%swap3A, %swap3A_159] {strides = array<i32>} : memref<256x16xf32, #tpu.memory_space<vmem>>, vector<16xf32>,
      tpu.vector_store %arg6[%swap3A, %swap3A_159], %masked_sort3A_157 {strides = array<i32>} : memref<256x16xf32, #tpu.memory_space<vmem>>, vector<16xf32>,
      %swap3A_161 = arith.index_cast %add3A_72 : i32 to index
      %swap3A_162 = arith.constant 0 : index
      %swap3A_163 = tpu.vector_load %arg7[%swap3A_161, %swap3A_162] {strides = array<i32>} : memref<256x16xi32, #tpu.memory_space<vmem>>, vector<16xi32>,
      tpu.vector_store %arg7[%swap3A_161, %swap3A_162], %masked_sort3A_158 {strides = array<i32>} : memref<256x16xi32, #tpu.memory_space<vmem>>, vector<16xi32>,
    }
    %scan3A_51 = arith.constant 128 : i32
    %dma_start3A_52 = arith.constant 0 : i32
    %dma_start3A_53 = tpu.memref_slice %arg3[%mul3A_2, %dma_start3A_52] : memref<8192x16xf32, #tpu.memory_space<hbm>> -> memref<256x16xf32, #tpu.memory_space<hbm>>
    %dma_start3A_54 = arith.constant 0 : i32
    %dma_start3A_55 = tpu.memref_slice %arg3[%mul3A_2, %dma_start3A_54] : memref<8192x16xf32, #tpu.memory_space<hbm>> -> memref<256x16xf32, #tpu.memory_space<hbm>>
    tpu.enqueue_dma source(%arg6 : memref<256x16xf32, #tpu.memory_space<vmem>>) target(%dma_start3A_55 : memref<256x16xf32, #tpu.memory_space<hbm>>) target_semaphore(%arg8 : memref<!tpu.dma_semaphore, #tpu.memory_space<semaphore_mem>>)
    %dma_start3A_56 = arith.constant 0 : i32
    %dma_start3A_57 = tpu.memref_slice %arg4[%mul3A_2, %dma_start3A_56] : memref<8192x16xi32, #tpu.memory_space<hbm>> -> memref<256x16xi32, #tpu.memory_space<hbm>>
    %dma_start3A_58 = arith.constant 0 : i32
    %dma_start3A_59 = tpu.memref_slice %arg4[%mul3A_2, %dma_start3A_58] : memref<8192x16xi32, #tpu.memory_space<hbm>> -> memref<256x16xi32, #tpu.memory_space<hbm>>
    tpu.enqueue_dma source(%arg7 : memref<256x16xi32, #tpu.memory_space<vmem>>) target(%dma_start3A_59 : memref<256x16xi32, #tpu.memory_space<hbm>>) target_semaphore(%arg9 : memref<!tpu.dma_semaphore, #tpu.memory_space<semaphore_mem>>)
    %dma_wait3A_60 = arith.constant 0 : i32
    %dma_wait3A_61 = tpu.memref_slice %arg3[%mul3A_2, %dma_wait3A_60] : memref<8192x16xf32, #tpu.memory_space<hbm>> -> memref<256x16xf32, #tpu.memory_space<hbm>>
    %dma_wait3A_62 = arith.constant 0 : i32
    %dma_wait3A_63 = tpu.memref_slice %arg3[%mul3A_2, %dma_wait3A_62] : memref<8192x16xf32, #tpu.memory_space<hbm>> -> memref<256x16xf32, #tpu.memory_space<hbm>>
    tpu.wait_dma2 semaphore(%arg8 : memref<!tpu.dma_semaphore, #tpu.memory_space<semaphore_mem>>) src(%arg6 : memref<256x16xf32, #tpu.memory_space<vmem>>) dst(%dma_wait3A_63 : memref<256x16xf32, #tpu.memory_space<hbm>>)
    %dma_wait3A_64 = arith.constant 0 : i32
    %dma_wait3A_65 = tpu.memref_slice %arg4[%mul3A_2, %dma_wait3A_64] : memref<8192x16xi32, #tpu.memory_space<hbm>> -> memref<256x16xi32, #tpu.memory_space<hbm>>
    %dma_wait3A_66 = arith.constant 0 : i32
    %dma_wait3A_67 = tpu.memref_slice %arg4[%mul3A_2, %dma_wait3A_66] : memref<8192x16xi32, #tpu.memory_space<hbm>> -> memref<256x16xi32, #tpu.memory_space<hbm>>
    tpu.wait_dma2 semaphore(%arg9 : memref<!tpu.dma_semaphore, #tpu.memory_space<semaphore_mem>>) src(%arg7 : memref<256x16xi32, #tpu.memory_space<vmem>>) dst(%dma_wait3A_67 : memref<256x16xi32, #tpu.memory_space<hbm>>)
    return
  }
}

module attributes {stable_mosaic.version = 14 : i64} {
  func.func @_score_kernel(%arg0: i32, %arg1: memref<1024x2048xf32, #tpu.memory_space<vmem>>, %arg2: memref<64x2048xf32, #tpu.memory_space<vmem>>, %arg3: memref<1x64xf32, #tpu.memory_space<vmem>>, %arg4: memref<1024x64xf32, #tpu.memory_space<vmem>>) attributes {dimension_semantics = [#tpu.dimension_semantics<arbitrary>], iteration_bounds = array<i64: 8>, scalar_prefetch = 0 : i64, scratch_operands = 0 : i64, tpu.core_type = #tpu.core_type<tc>, window_params = [{transform_indices = @transform_0, window_bounds = array<i64: 1024, 2048>}, {pipeline_mode = #tpu.pipeline_mode<synchronous>, transform_indices = @transform_1, window_bounds = array<i64: 64, 2048>}, {pipeline_mode = #tpu.pipeline_mode<synchronous>, transform_indices = @transform_2, window_bounds = array<i64: 1, 64>}, {transform_indices = @transform_3, window_bounds = array<i64: 1024, 64>}]} {
    %get3A = arith.constant 0 : index
    %get3A_0 = arith.constant 0 : index
    %get3A_1 = vector.load %arg1[%get3A, %get3A_0] : memref<1024x2048xf32, #tpu.memory_space<vmem>>, vector<1024x2048xf32>
    %get3A_2 = arith.constant 0 : index
    %get3A_3 = arith.constant 0 : index
    %get3A_4 = vector.load %arg2[%get3A_2, %get3A_3] : memref<64x2048xf32, #tpu.memory_space<vmem>>, vector<64x2048xf32>
    %dot_general3A = arith.constant dense<0.000000e+00> : vector<1024x64xf32>
    %dot_general3A_5 = tpu.matmul %get3A_1, %get3A_4, %dot_general3A {dimension_numbers = #tpu.dot_dimension_numbers<[1], [1], [0], [0], [0, 0, 1, 0], [], []>, transpose_lhs_hint = false} : vector<1024x2048xf32>, vector<64x2048xf32>, vector<1024x64xf32> -> vector<1024x64xf32>
    %reduce_max3A = arith.constant dense<0xFF800000> : vector<1024xf32>
    %reduce_max3A_6 = vector.multi_reduction <maximumf>, %dot_general3A_5, %reduce_max3A [1] : vector<1024x64xf32> to vector<1024xf32>
    %broadcast_in_dim3A = vector.shape_cast %reduce_max3A_6 : vector<1024xf32> to vector<1024x1xf32>
    %sub3A = vector.broadcast %broadcast_in_dim3A : vector<1024x1xf32> to vector<1024x64xf32>
    %sub3A_7 = arith.subf %dot_general3A_5, %sub3A : vector<1024x64xf32>
    %exp3A = math.exp %sub3A_7 : vector<1024x64xf32>
    %reduce_sum3A = arith.constant dense<0.000000e+00> : vector<1024xf32>
    %reduce_sum3A_8 = vector.multi_reduction <add>, %exp3A, %reduce_sum3A [1] : vector<1024x64xf32> to vector<1024xf32>
    %broadcast_in_dim3A_9 = vector.shape_cast %reduce_sum3A_8 : vector<1024xf32> to vector<1024x1xf32>
    %div3A = vector.broadcast %broadcast_in_dim3A_9 : vector<1024x1xf32> to vector<1024x64xf32>
    %div3A_10 = arith.divf %exp3A, %div3A : vector<1024x64xf32>
    %get3A_11 = arith.constant 0 : index
    %get3A_12 = arith.constant 0 : index
    %get3A_13 = vector.load %arg3[%get3A_11, %get3A_12] : memref<1x64xf32, #tpu.memory_space<vmem>>, vector<1x64xf32>
    %add3A = vector.broadcast %get3A_13 : vector<1x64xf32> to vector<1024x64xf32>
    %add3A_14 = arith.addf %div3A_10, %add3A : vector<1024x64xf32>
    %swap3A = arith.constant 0 : index
    %swap3A_15 = arith.constant 0 : index
    %swap3A_16 = vector.load %arg4[%swap3A, %swap3A_15] : memref<1024x64xf32, #tpu.memory_space<vmem>>, vector<1024x64xf32>
    tpu.vector_store %arg4[%swap3A, %swap3A_15], %add3A_14 {strides = array<i32>} : memref<1024x64xf32, #tpu.memory_space<vmem>>, vector<1024x64xf32>,
    return
  }
  func.func @transform_0(%arg0: i32) -> (i32, i32) {
    %c0_i32 = arith.constant 0 : i32
    %c0_i32_0 = arith.constant 0 : i32
    return %arg0, %c0_i32 : i32, i32
  }
  func.func @transform_1(%arg0: i32) -> (i32, i32) {
    %c0_i32 = arith.constant 0 : i32
    %c0_i32_0 = arith.constant 0 : i32
    %c0_i32_1 = arith.constant 0 : i32
    return %c0_i32, %c0_i32_0 : i32, i32
  }
  func.func @transform_2(%arg0: i32) -> (i32, i32) {
    %c0_i32 = arith.constant 0 : i32
    %c0_i32_0 = arith.constant 0 : i32
    %c0_i32_1 = arith.constant 0 : i32
    return %c0_i32, %c0_i32_0 : i32, i32
  }
  func.func @transform_3(%arg0: i32) -> (i32, i32) {
    %c0_i32 = arith.constant 0 : i32
    %c0_i32_0 = arith.constant 0 : i32
    return %arg0, %c0_i32 : i32, i32
  }
}

</mosaic_0001>

<sc_bundles>
// kernel: kernel.4.cloned.1.call-start
scs
__scs_entry_jumppad:
0x0: {  	(pc) =	sbr.rel $0x88, $3  }
0x1: {  	(tag) =	ssettag $0x0;
	lr =	simm.s32 $0x1  }
0x2: {  	[smem:$0x3F9E] =	sst lr;
	_ =	strace $0xD0000000  }
0x3: {  	_ = 	snop  }
0x4: {  	_ = 	snop  }
0x5: {  	_ = 	snop  }
0x6: {  	_ = 	snop  }
0x7: {  	_ = 	snop  }
__scs_overlays_trampoline_lowered:
0x8: {  	[smem:$0x3FAD] =	sst s0  }
0x9: {  	[smem:$0x3FAE] =	sst s1  }
0xa: {  	[smem:$0x3FAF] =	sst s2  }
0xb: {  	[smem:$0x3FB0] =	sst s3  }
0xc: {  	[smem:$0x3FB1] =	sst s4  }
0xd: {  	[smem:$0x3FB2] =	sst s5  }
0xe: {  	[smem:$0x3FB3] =	sst s6  }
0xf: {  	[smem:$0x3FB4] =	sst s7  }
0x10: {  	[smem:$0x3FB5] =	sst s8  }
0x11: {  	[smem:$0x3FB6] =	sst s9;
	s0 =	simm.s32 @!p0 $0x0  }
0x12: {  	s1 =	sld [smem:$0x3F9C];
	s0 =	simm.s32 @p0 $0x1  }
0x13: {  	[smem:$0x3FB7] =	sst s0;
	s0 =	simm.s32 @!p1 $0x0  }
0x14: {  	s2 =	sld [smem:$0x3F9B];
	s0 =	simm.s32 @p1 $0x1  }
0x15: {  	[smem:$0x3FB8] =	sst s0;
	s0 =	simm.s32 @!p2 $0x0  }
0x16: {  	s3 =	sld [smem:$0x3FDB];
	s0 =	simm.s32 @p2 $0x1  }
0x17: {  	s4 =	simm.s32 $0x1BF5;
	[smem:$0x3FBA] =	sst s0  }
0x18: {  	s0 =	sld [smem:$0x3F9D];
	_ =	swait.ge [sflag:s4], $0x0  }
0x19: {  	s7 =	sld [smem:$0x3F9E]  }
0x1a: {  	s8 =	sadd.s32 $0xFFFFE003, lr  }
0x1b: {  	s9 =	sadd.s32 $0xFFFFFEF7, lr;
	s5 =	simm.s32 $0xFFFFFFFF;
	p2 =	slt.u32 s8, $0xFFFFF086  }
0x1c: {  	p1 =	slt.u32 s9, $0xF7A;
	s5 =	simm.s32 @!p2 $0x0  }
0x1d: {  	s5 =	simm.s32 @p1 $0x1;
	p0 =	seq.s32 s7, s2  }
0x1e: {  	s7 =	smul.u32 @!p0 $0xF7A, s2;
	p2 =	seq.s32 @!p0 s5, $0x0  }
0x1f: {  	s9 =	smul.u32 $0xF7A, s1;
	s8 =	simm.s32 @!p0 $0x1BF5;
	p2 =	por !p2, p0  }
0x20: {  	[sflag:s8] =	ssyncset.s32 @!p0 $0xFFFFF086;
	s6 =	sadd.s32 @!p0 s3, s7;
	s7 =	simm.s32 @!p0 $0x108  }
0x21: {  	s3 =	sadd.s32 s3, s9;
	s6 =	sadd.s32 @!p0 $0x88, s6;
	s7 =	simm.s32 @p2 $0x1082  }
0x22: {  	[simem:s7], [sflag:s8] =	dma.local @!p0 [hbm:s6], $0xF7A  }
0x23: {  	s9 =	sor.u32 $0xD0000000, s2;
	s6 =	simm.s32 $0x108;
	_ =	swait.ge @!p0 [sflag:s8], $0x0  }
0x24: {  	s3 =	sadd.s32 $0x88, s3;
	s6 =	simm.s32 @!p1 $0x1082;
	[sflag:s4] =	ssyncset.s32 $0xFFFFF086  }
0x25: {  	[simem:s6], [sflag:s4] =	dma.local [hbm:s3], $0xF7A  }
0x26: {  	[smem:$0x3F9E] =	sst s1;
	(tag) =	ssettag s2;
	_ =	strace s9  }
0x27: {  	s1 =	sld [smem:$0x3FAE]  }
0x28: {  	s2 =	sld [smem:$0x3FAF]  }
0x29: {  	s4 =	sld [smem:$0x3FB1]  }
0x2a: {  	p0 =	seq.s32 s5, $0x0;
	s5 =	sld [smem:$0x3FB2]  }
0x2b: {  	s6 =	sld [smem:$0x3FB3]  }
0x2c: {  	s7 =	sld [smem:$0x3FB4]  }
0x2d: {  	s3 =	simm.s32 $0x108;
	s8 =	sld [smem:$0x3FB5]  }
0x2e: {  	s3 =	simm.s32 @!p0 $0x1082;
	s9 =	sld [smem:$0x3FB6]  }
0x2f: {  	lr =	sadd.s32 s0, s3;
	s0 =	sld [smem:$0x3FAD]  }
0x30: {  	s3 =	sld [smem:$0x3FB0]  }
0x31: {  	[smem:$0x3FB9] =	sst s10  }
0x32: {  	s10 =	sld [smem:$0x3FB7];
	_ =	sdelay $0x3  }
0x33: {  	p0 =	seq.s32 s10, $0x1;
	s10 =	sld [smem:$0x3FB9];
	_ =	sdelay $0x3  }
0x34: {  	[smem:$0x3FB9] =	sst s10  }
0x35: {  	s10 =	sld [smem:$0x3FB8];
	_ =	sdelay $0x3  }
0x36: {  	p1 =	seq.s32 s10, $0x1;
	s10 =	sld [smem:$0x3FB9];
	_ =	sdelay $0x3  }
0x37: {  	[smem:$0x3FB9] =	sst s10  }
0x38: {  	s10 =	sld [smem:$0x3FBA]  }
0x39: {  	_ = 	snop;
	(pc) =	sbr.ind lr, $3  }
0x3a: {  	_ = 	snop  }
0x3b: {  	_ = 	snop  }
0x3c: {  	p2 =	seq.s32 s10, $0x1;
	s10 =	sld [smem:$0x3FB9]  }
0x3d: {  	_ =	shalt  }
0x3e: {  	_ =	shalt  }
0x3f: {  	_ =	shalt  }
0x40: {  	_ =	shalt  }
0x41: {  	_ =	shalt  }
0x42: {  	_ =	shalt  }
0x43: {  	_ =	shalt  }
0x44: {  	_ =	shalt  }
0x45: {  	_ =	shalt  }
0x46: {  	_ =	shalt  }
0x47: {  	_ =	shalt  }
0x48: {  	_ =	shalt  }
0x49: {  	_ =	shalt  }
0x4a: {  	_ =	shalt  }
0x4b: {  	_ =	shalt  }
0x4c: {  	_ =	shalt  }
0x4d: {  	_ =	shalt  }
0x4e: {  	_ =	shalt  }
0x4f: {  	_ =	shalt  }
0x50: {  	_ =	shalt  }
0x51: {  	_ =	shalt  }
0x52: {  	_ =	shalt  }
0x53: {  	_ =	shalt  }
0x54: {  	_ =	shalt  }
0x55: {  	_ =	shalt  }
0x56: {  	_ =	shalt  }
0x57: {  	_ =	shalt  }
0x58: {  	_ =	shalt  }
0x59: {  	_ =	shalt  }
0x5a: {  	_ =	shalt  }
0x5b: {  	_ =	shalt  }
0x5c: {  	_ =	shalt  }
0x5d: {  	_ =	shalt  }
0x5e: {  	_ =	shalt  }
0x5f: {  	_ =	shalt  }
0x60: {  	_ =	shalt  }
0x61: {  	_ =	shalt  }
0x62: {  	_ =	shalt  }
0x63: {  	_ =	shalt  }
0x64: {  	_ =	shalt  }
0x65: {  	_ =	shalt  }
0x66: {  	_ =	shalt  }
0x67: {  	_ =	shalt  }
0x68: {  	_ =	shalt  }
0x69: {  	_ =	shalt  }
0x6a: {  	_ =	shalt  }
0x6b: {  	_ =	shalt  }
0x6c: {  	_ =	shalt  }
0x6d: {  	_ =	shalt  }
0x6e: {  	_ =	shalt  }
0x6f: {  	_ =	shalt  }
0x70: {  	_ =	shalt  }
0x71: {  	_ =	shalt  }
0x72: {  	_ =	shalt  }
0x73: {  	_ =	shalt  }
0x74: {  	_ =	shalt  }
0x75: {  	_ =	shalt  }
0x76: {  	_ =	shalt  }
0x77: {  	_ =	shalt  }
0x78: {  	_ =	shalt  }
0x79: {  	_ =	shalt  }
0x7a: {  	_ =	shalt  }
0x7b: {  	_ =	shalt  }
0x7c: {  	_ =	shalt  }
0x7d: {  	_ =	shalt  }
0x7e: {  	_ =	shalt  }
0x7f: {  	_ =	shalt  }
0x80: {  	_ =	shalt  }
0x81: {  	_ =	shalt  }
0x82: {  	_ =	shalt  }
0x83: {  	_ =	shalt  }
0x84: {  	_ =	shalt  }
0x85: {  	_ =	shalt  }
0x86: {  	_ =	shalt  }
0x87: {  	_ =	shalt  }
.Lfunc_end0:
.L_simem_size_0:
called_computation_lowered:
.L_overlay_start_0:
0x88: {  	s2 =	sld [smem:$0x3FD9]  }
0x89: {  	s3 =	sld [smem:$0x3FFE];
	_ =	sdelay $0x1  }
0x8a: {  	s1 =	srdreg.scid  }
0x8b: {  	s0 =	sand.u32 $0x1, s1  }
0x8c: {  	s16 =	sshll.u32 s0, $0xA;
	s2 =	sadd.s32 s3, s2  }
0x8d: {  	s2 =	sadd.s32 s2, s16  }
0x8e: {  	[smem:$0x3FC5] =	sst s2  }
0x8f: {  	_ = 	snop  }
0x90: {  	(tm) =	ssettm $0x1  }
0x91: {  	s17 =	sld [smem:$0x3FFB];
	_ =	sdelay $0x3  }
0x92: {  	_ =	strace s17  }
0x93: {  	s2 =	sld [smem:$0x3FFC];
	_ =	sdelay $0x3  }
0x94: {  	_ =	strace s2  }
0x95: {  	s2 =	sld [smem:$0x3FFD];
	_ =	sdelay $0x3  }
0x96: {  	_ =	strace s2  }
0x97: {  	_ =	strace $0x8FFFFFFF  }
0x98: {  	s18 =	sld [smem:$0x3FDB];
	_ =	sdelay $0x1  }
0x99: {  	s19 =	simm.s32 $_scs_section_size  }
0x9a: {  	s4 =	simm.s32 $_size__tile_overlayer_lowered;
	s5 =	simm.s32 $_tile_overlayer_lowered  }
0x9b: {  	s22 =	simm.s32 $0x1BFF;
	s21 =	sshll.u32 s5, $0x1;
	s2 =	sadd.s32 s19, s18  }
0x9c: {  	s6 =	simm.s32 $0x0;
	s20 =	sshll.u32 s4, $0x1;
	s4 =	sadd.s32 s21, s2  }
0x9d: {  	[timem:s6], [sflag:s22] =	dma.local [hbm:s4], s20  }
0x9e: {  	_ =	swait.ge [sflag:s22], s20  }
0x9f: {  	s3 =	ssub.s32 $0x0, s20;
	[sflag:s22] =	ssyncset.done $0x0  }
0xa0: {  	[sflag:s22] =	ssyncadd.s32 s3;
	_ =	sdelay $0x1  }
0xa1: {  	s23 =	simm.s32 $0x1B8B  }
0xa2: {  	_ =	swait.ge [sflag:s23], $0x1  }
0xa3: {  	[sflag:s23] =	ssyncset.done $0x0  }
0xa4: {  	s25 =	simm.s32 $0x1B8E;
	s24 =	sld [smem:$0x3FFE];
	[sflag:s23] =	ssyncadd.s32 $0xFFFFFFFF  }
0xa5: {  	s26 =	simm.s32 $execute0_lowered;
	[smem:$0x3FD2] =	sst s25  }
0xa6: {  	s4 =	sshll.u32 s26, $0x1;
	_ =	strace $0x80000046;
	[dreg:$0x1] =	wrdreg $0xFFFFFFFF  }
0xa7: {  	s28 =	simm.s32 $_size_execute0_lowered;
	s2 =	sadd.s32 s2, s4;
	[dreg:$0x0] =	wrdreg $0x0  }
0xa8: {  	s4 =	sshll.u32 s28, $0x1;
	[dreg:$0x2] =	wrdreg s2  }
0xa9: {  	[dreg:$0x3] =	wrdreg s4  }
0xaa: {  	[dreg:$0x4] =	wrdreg $0xC0  }
0xab: {  	_ =	task [dreg:s6], $0x5FFFF  }
0xac: {  	[dreg:$0x1] =	wrdreg $0xFFFFFFFF  }
0xad: {  	[dreg:$0x0] =	wrdreg $0x60  }
0xae: {  	[dreg:$0x2] =	wrdreg s24  }
0xaf: {  	[dreg:$0x3] =	wrdreg $0x9  }
0xb0: {  	_ =	task.clear_ibuf [dreg:s6], $0x4FFFF;
	_ =	strace $0x90000046  }
0xb1: {  	s29 =	simm.s32 $0x9;
	_ =	strace $0x80000048  }
0xb2: {  	_ =	swait.ge [sflag:s29], $0x1  }
0xb3: {  	[sflag:s29] =	ssyncadd.s32 $0xFFFFFFFF  }
0xb4: {  	_ =	strace $0x90000048  }
0xb5: {  	_ =	sfence  }
0xb6: {  	s30 =	sld [smem:$0x0];
	_ =	sdelay $0x2  }
0xb7: {  	s31 =	sshll.u32 s1, $0xD;
	s1 =	sshrl.u32 s1, $0x2  }
0xb8: {  	s3 =	sand.u32 $0x4000, s31;
	s1 =	sadd.s32 s1, s30  }
0xb9: {  	s0 =	sor.u32 s3, s0;
	s1 =	sshll.u32 s1, $0x11  }
0xba: {  	s0 =	sor.u32 s1, s0  }
0xbb: {  	s0 =	sadd.s32 $0x8F2B, s0  }
0xbc: {  	[sflag:s0] =	ssyncadd.remote.s32 $0x1  }
0xbd: {  	_ =	sfence.sel $0xFFFF  }
0xbe: {  	[dreg:$0x0] =	wrdreg $0xFFFFFFFF;
	(pc) =	sbr.abs _section_cstart, $3  }
0xbf: {  	[dreg:$0x1] =	wrdreg $0xFFFFFFFF  }
0xc0: {  	_ =	task.clear_ibuf [dreg:s6], $0x2FFFF;
	_ =	strace $0x9FFFFFFF  }
0xc1: {  	(tm) =	ssettm $0x7FFFFFFF  }
tec
execute0_lowered:
.L_overlay_start_1:
0x0: {  	(tag) =	ssettag $0x1  }
0x1: {  	s3 =	rddreg [dreg:$0x0];
	s2 =	srdreg.scid  }
0x2: {  	s0 =	rddreg [dreg:$0x1];
	s1 =	stileid.u32;
	s8 =	simm.s32 $0x4000  }
0x3: {  	s9 =	simm.s32 $0x1;
	s10 =	simm.s32 $0x2;
	s11 =	simm.s32 $0x8000  }
0x4: {  	s12 =	simm.s32 $0x10000;
	s13 =	simm.s32 $0x0;
	s4 =	sand.u32 $0x1, s2  }
0x5: {  	s2 =	simm.s32 $0x0;
	s5 =	sshll.u32 s1, $0xD;
	s6 =	sshll.u32 s4, $0xC  }
0x6: {  	v0 =	vlaneseq.u32;
	[smem:$0x7FF] =	sst s2;
	s4 =	ssub.s32 $0x2, s4;
	s5 =	sor.u32 s6, s5  }
0x7: {  	v4 =	vmul.u32 $0xFFFFFFFF, v0;
	_ =	strace $0x80000047;
	s31 =	sshrl.u32 s4, $0x1;
	s6 =	sadd.s32 s5, s3  }
0x8: {  	v1 =	vor.u32 $0x10, v0;
	s7 =	ssub.s32 s4, s31;
	s3 =	sadd.s32 $0x1000, s6;
	s4 =	sadd.s32 $0x1800, s6  }
0x9: {  	v2 =	vor.u32 $0x20, v0;
	v3 =	vor.u32 $0x30, v0;
	v4 =	vadd.s32 $0xF, v4;
	s5 =	sadd.s32 $0x21000, s6;
	s6 =	sadd.s32 $0x41000, s6;
	s7 =	smax.u32 s7, $0x1  }
.LBB2_1:
0xa: {  	[tilespmem:s2], [sflag:$0x1] =	stream.linear.gather [hbm4b:s3+s2], $0x4000, $0x38;
	[tilespmem:$0x18000] =	vst v63  }
0xb: {  	_ = 	snop  }
0xc: {  	[tilespmem:s8], [sflag:$0x2] =	stream.linear.gather [hbm4b:s4+s2], $0x4000, $0x38;
	[tilespmem:$0x18000] =	vst v63  }
0xd: {  	_ =	swait.ge [sflag:s9], $0x4000  }
0xe: {  	[sflag:s9] =	ssyncset.done $0x0  }
0xf: {  	s14 =	simm.s32 $0x0;
	[sflag:s9] =	ssyncadd.s32 $0xFFFFC000  }
0x10: {  	v5 =	vld [tilespmem:s14+$0x30]  }
0x11: {  	v6 =	vld [tilespmem:s14+$0x10]  }
0x12: {  	v7 =	vld [tilespmem:s14+$0x20];
	_ =	sdelay $0x1  }
0x13: {  	v8 =	vld [tilespmem:s14+$0x0]  }
0x14: {  	(xrf1) =	vsort.dscd.msk.f32 $0xffff, v5, v3  }
0x15: {  	(xrf1) =	vsort.dscd.msk.f32 $0xffff, v6, v1  }
0x16: {  	(xrf1) =	vsort.dscd.msk.f32 $0xffff, v7, v2;
	_ =	sdelay $0x1  }
0x17: {  	s15 =	simm.s32 $0x80;
	(xrf1) =	vsort.dscd.msk.f32 $0xffff, v8, v0  }
0x18: {  	v5 =	vld [tilespmem:s15+$0x30]  }
0x19: {  	v6 =	vld [tilespmem:s15+$0x10]  }
0x1a: {  	v7 =	vld [tilespmem:s15+$0x20];
	_ =	sdelay $0x1  }
0x1b: {  	v8 =	vld [tilespmem:s15+$0x0]  }
0x1c: {  	s16 =	simm.s32 $0x100;
	(xrf1) =	vsort.dscd.msk.f32 $0xffff, v5, v3  }
0x1d: {  	v5 =	vld [tilespmem:s16+$0x30];
	(xrf1) =	vsort.dscd.msk.f32 $0xffff, v6, v1  }
0x1e: {  	v6 =	vld [tilespmem:s16+$0x10];
	(xrf1) =	vsort.dscd.msk.f32 $0xffff, v7, v2  }
0x1f: {  	v7 =	vld [tilespmem:s16+$0x20]  }
0x20: {  	(xrf1) =	vsort.dscd.msk.f32 $0xffff, v8, v0;
	v8, v9, _ =	vpop (xrf1)  }
0x21: {  	v8 =	vperm.xlane v8, v4;
	v11, v12, _ =	vpop (xrf1)  }
0x22: {  	(xrf1) =	vsort.dscd.msk.f32 $0xffff, v5, v3;
	v5 =	vperm.xlane v9, v4;
	v9, v13, _ =	vpop (xrf1)  }
0x23: {  	v10 =	vld [tilespmem:s16+$0x0];
	(xrf1) =	vsort.dscd.msk.f32 $0xffff, v6, v1;
	v6 =	vperm.xlane v11, v4;
	vm0 =	vge.f32 v9, v8  }
0x24: {  	(xrf1) =	vsort.dscd.msk.f32 $0xffff, v7, v2;
	v7 =	vperm.xlane v12, v4;
	v8 =	vsel vm0, v9, v8;
	v9, v11, _ =	vpop (xrf1)  }
0x25: {  	s17 =	simm.s32 $0x180;
	v5 =	vsel vm0, v13, v5;
	vm0 =	vge.f32 v9, v6  }
0x26: {  	v12 =	vld [tilespmem:s17+$0x30];
	v7 =	vsel vm0, v11, v7  }
0x27: {  	(xrf1) =	vsort.dscd.msk.f32 $0xffff, v8, v5;
	v6 =	vsel vm0, v9, v6  }
0x28: {  	v5 =	vld [tilespmem:s17+$0x10];
	(xrf1) =	vsort.dscd.msk.f32 $0xffff, v10, v0  }
0x29: {  	v8 =	vld [tilespmem:s17+$0x20];
	(xrf1) =	vsort.dscd.msk.f32 $0xffff, v6, v7  }
0x2a: {  	v6, v7, _ =	vpop (xrf1)  }
0x2b: {  	v9 =	vld [tilespmem:s17+$0x0];
	(xrf1) =	vsort.dscd.msk.f32 $0xffff, v12, v3;
	v6 =	vperm.xlane v6, v4;
	v10, v11, _ =	vpop (xrf1)  }
0x2c: {  	v7 =	vperm.xlane v7, v4;
	v12, v13, _ =	vpop (xrf1)  }
0x2d: {  	s18 =	simm.s32 $0x200;
	(xrf1) =	vsort.dscd.msk.f32 $0xffff, v5, v1;
	v5 =	vperm.xlane v10, v4;
	vm0 =	vge.f32 v12, v6  }
0x2e: {  	(xrf1) =	vsort.dscd.msk.f32 $0xffff, v8, v2;
	v6 =	vsel vm0, v12, v6;
	v7 =	vsel vm0, v13, v7;
	v12 =	vld [tilespmem:s18+$0x30]  }
0x2f: {  	v8 =	vperm.xlane v11, v4;
	v10, v11, _ =	vpop (xrf1);
	(xrf1) =	vsort.dscd.msk.f32 $0xffff, v6, v7;
	v6 =	vld [tilespmem:s18+$0x10]  }
0x30: {  	vm0 =	vge.f32 v10, v5;
	v7 =	vld [tilespmem:s18+$0x20];
	(xrf1) =	vsort.dscd.msk.f32 $0xffff, v9, v0  }
0x31: {  	v5 =	vsel vm0, v10, v5;
	v8 =	vsel vm0, v11, v8;
	v9, v10, _ =	vpop (xrf1)  }
0x32: {  	(xrf1) =	vsort.dscd.msk.f32 $0xffff, v5, v8;
	v5 =	vld [tilespmem:s18+$0x0];
	v8 =	vperm.xlane v9, v4;
	v9, v11, _ =	vpop (xrf1)  }
0x33: {  	v10 =	vperm.xlane v10, v4;
	(xrf1) =	vsort.dscd.msk.f32 $0xffff, v12, v3;
	v12, v13, _ =	vpop (xrf1)  }
0x34: {  	v9 =	vperm.xlane v9, v4;
	(xrf1) =	vsort.dscd.msk.f32 $0xffff, v6, v1;
	vm0 =	vge.f32 v12, v8  }
0x35: {  	s19 =	simm.s32 $0x280;
	v6, v14, _ =	vpop (xrf1);
	(xrf1) =	vsort.dscd.msk.f32 $0xffff, v7, v2;
	v7 =	vsel vm0, v12, v8;
	v8 =	vsel vm0, v13, v10  }
0x36: {  	v10 =	vperm.xlane v11, v4;
	v11, v12, _ =	vpop (xrf1);
	v13 =	vld [tilespmem:s19+$0x30];
	v6 =	vperm.xlane v6, v4;
	(xrf1) =	vsort.dscd.msk.f32 $0xffff, v7, v8  }
0x37: {  	v7 =	vperm.xlane v14, v4;
	v8 =	vld [tilespmem:s19+$0x10];
	vm0 =	vge.f32 v11, v9;
	(xrf1) =	vsort.dscd.msk.f32 $0xffff, v5, v0;
	v5, v14, _ =	vpop (xrf1)  }
0x38: {  	v15 =	vld [tilespmem:s19+$0x20];
	v9 =	vsel vm0, v11, v9;
	v10 =	vsel vm0, v12, v10;
	vm0 =	vge.f32 v5, v6  }
0x39: {  	v11, v12, _ =	vpop (xrf1);
	(xrf1) =	vsort.dscd.msk.f32 $0xffff, v9, v10;
	v5 =	vsel vm0, v5, v6;
	v6 =	vsel vm0, v14, v7  }
0x3a: {  	(xrf1) =	vsort.dscd.msk.f32 $0xffff, v5, v6  }
0x3b: {  	v7 =	vld [tilespmem:s19+$0x0];
	v9 =	vperm.xlane v11, v4;
	v10, v11, _ =	vpop (xrf1);
	(xrf1) =	vsort.dscd.msk.f32 $0xffff, v13, v3  }
0x3c: {  	v5 =	vperm.xlane v12, v4;
	v6, v12, _ =	vpop (xrf1);
	(xrf1) =	vsort.dscd.msk.f32 $0xffff, v8, v1  }
0x3d: {  	v10 =	vperm.xlane v10, v4;
	vm0 =	vge.f32 v6, v9;
	v8, v13, _ =	vpop (xrf1);
	(xrf1) =	vsort.dscd.msk.f32 $0xffff, v15, v2  }
0x3e: {  	v6 =	vsel vm0, v6, v9;
	v5 =	vsel vm0, v12, v5;
	v9 =	vperm.xlane v11, v4;
	v11, v12, _ =	vpop (xrf1)  }
0x3f: {  	s20 =	simm.s32 $0x300;
	(xrf1) =	vsort.dscd.msk.f32 $0xffff, v6, v5;
	v5 =	vperm.xlane v8, v4;
	vm0 =	vge.f32 v11, v10  }
0x40: {  	v14 =	vld [tilespmem:s20+$0x30];
	v6 =	vperm.xlane v13, v4;
	(xrf1) =	vsort.dscd.msk.f32 $0xffff, v7, v0;
	v7, v13, _ =	vpop (xrf1);
	v10 =	vsel vm0, v11, v10  }
0x41: {  	v8 =	vld [tilespmem:s20+$0x10];
	v9 =	vsel vm0, v12, v9;
	vm0 =	vge.f32 v7, v5  }
0x42: {  	v15 =	vld [tilespmem:s20+$0x20];
	v6 =	vsel vm0, v13, v6  }
0x43: {  	v11, v12, _ =	vpop (xrf1);
	(xrf1) =	vsort.dscd.msk.f32 $0xffff, v10, v9;
	v5 =	vsel vm0, v7, v5  }
0x44: {  	v13 =	vld [tilespmem:s20+$0x0];
	v9 =	vperm.xlane v11, v4;
	(xrf1) =	vsort.dscd.msk.f32 $0xffff, v5, v6;
	v7, v10, _ =	vpop (xrf1)  }
0x45: {  	v5 =	vperm.xlane v12, v4;
	(xrf1) =	vsort.dscd.msk.f32 $0xffff, v14, v3;
	v6, v11, _ =	vpop (xrf1)  }
0x46: {  	(xrf1) =	vsort.dscd.msk.f32 $0xffff, v8, v1;
	vm0 =	vge.f32 v6, v9  }
0x47: {  	(xrf1) =	vsort.dscd.msk.f32 $0xffff, v15, v2;
	v6 =	vsel vm0, v6, v9;
	v9 =	vsel vm0, v11, v5  }
0x48: {  	(xrf1) =	vsort.dscd.msk.f32 $0xffff, v6, v9  }
0x49: {  	(xrf1) =	vsort.dscd.msk.f32 $0xffff, v13, v0;
	_ =	sdelay $0x3  }
0x4a: {  	s21 =	simm.s32 $0x380;
	v7 =	vperm.xlane v7, v4;
	v14, v16, _ =	vpop (xrf1)  }
0x4b: {  	v8 =	vperm.xlane v10, v4;
	v12, v11, _ =	vpop (xrf1);
	v5 =	vld [tilespmem:s21+$0x30];
	v9 =	vperm.xlane v14, v4  }
0x4c: {  	s22 =	simm.s32 $0x1000;
	v10 =	vperm.xlane v16, v4;
	v6 =	vld [tilespmem:s21+$0x10];
	vm0 =	vge.f32 v12, v7;
	v14, v13, _ =	vpop (xrf1)  }
.LBB2_2:
0x4d: {  	p0 =	sne.s32 s22, $0xFE00;
	v15 =	vld [tilespmem:s21+$0x20];
	v7 =	vsel vm0, v12, v7;
	v8 =	vsel vm0, v11, v8;
	vm0 =	vge.f32 v14, v9;
	v11, v12, _ =	vpop (xrf1);
	s23 =	smov.u32 s22;
	s22 =	sadd.s32 $0x200, s22  }
0x4e: {  	v16 =	vld [tilespmem:s21+$0x0];
	v17, v18, _ =	vpop (xrf1);
	(xrf1) =	vsort.dscd.msk.f32 $0xffff, v7, v8;
	v7 =	vsel vm0, v14, v9;
	v8 =	vsel vm0, v13, v10;
	[tilespmem:s14+$0x8000] =	vst v11  }
0x4f: {  	v9 =	vperm.xlane v17, v4;
	v10, v11, _ =	vpop (xrf1);
	(xrf1) =	vsort.dscd.msk.f32 $0xffff, v7, v8;
	[tilespmem:s14+$0x10000] =	vst v12;
	s14 =	smov.u32 s15;
	s15 =	smov.u32 s16;
	s16 =	smov.u32 s17  }
.Ltmp0:
0x50: {  	s17 =	smov.u32 s18;
	s18 =	smov.u32 s19;
	(xrf1) =	vsort.dscd.msk.f32 $0xffff, v5, v3;
	v7 =	vperm.xlane v10, v4;
	v5 =	vperm.xlane v18, v4;
	v10, v12, _ =	vpop (xrf1);
	(pc) =	sbr.rel @p0 .LBB2_2-.Ltmp0, $4  }
0x51: {  	s19 =	smov.u32 s20;
	s20 =	smov.u32 s21;
	v8 =	vperm.xlane v11, v4;
	(xrf1) =	vsort.dscd.msk.f32 $0xffff, v6, v1;
	vm0 =	vge.f32 v10, v9;
	v6, v13, _ =	vpop (xrf1)  }
0x52: {  	s21 =	sshra.s32 s23, $0x2;
	(xrf1) =	vsort.dscd.msk.f32 $0xffff, v15, v2;
	v9 =	vsel vm0, v10, v9;
	v10 =	vsel vm0, v12, v5;
	v12, v11, _ =	vpop (xrf1)  }
0x53: {  	v5 =	vld [tilespmem:s21+$0x30];
	(xrf1) =	vsort.dscd.msk.f32 $0xffff, v9, v10;
	v9 =	vperm.xlane v6, v4;
	v10 =	vperm.xlane v13, v4  }
0x54: {  	vm0 =	vge.f32 v12, v7;
	v6 =	vld [tilespmem:s21+$0x10];
	(xrf1) =	vsort.dscd.msk.f32 $0xffff, v16, v0;
	v14, v13, _ =	vpop (xrf1)  }
0x55: {  	v7 =	vsel vm0, v12, v7;
	v8 =	vsel vm0, v11, v8;
	vm0 =	vge.f32 v14, v9  }
0x56: {  	v11, v12, _ =	vpop (xrf1);
	(xrf1) =	vsort.dscd.msk.f32 $0xffff, v7, v8;
	v8 =	vsel vm0, v13, v10  }
0x57: {  	v7 =	vsel vm0, v14, v9  }
0x58: {  	v15 =	vld [tilespmem:s21+$0x20];
	v16, v17, _ =	vpop (xrf1)  }
0x59: {  	v10 =	vperm.xlane v16, v4;
	v13, v14, _ =	vpop (xrf1)  }
0x5a: {  	v9 =	vld [tilespmem:s21+$0x0];
	(xrf1) =	vsort.dscd.msk.f32 $0xffff, v7, v8;
	v7, v8, _ =	vpop (xrf1)  }
0x5b: {  	(xrf1) =	vsort.dscd.msk.f32 $0xffff, v5, v3;
	v5 =	vperm.xlane v17, v4;
	vm0 =	vge.f32 v7, v10  }
0x5c: {  	(xrf1) =	vsort.dscd.msk.f32 $0xffff, v6, v1;
	v6 =	vsel vm0, v7, v10  }
0x5d: {  	(xrf1) =	vsort.dscd.msk.f32 $0xffff, v15, v2;
	v5 =	vsel vm0, v8, v5  }
0x5e: {  	(xrf1) =	vsort.dscd.msk.f32 $0xffff, v6, v5  }
0x5f: {  	v14 =	vperm.xlane v14, v4;
	v7, v8, _ =	vpop (xrf1);
	(xrf1) =	vsort.dscd.msk.f32 $0xffff, v9, v0;
	v9 =	vperm.xlane v13, v4  }
0x60: {  	v5, v6, _ =	vpop (xrf1)  }
0x61: {  	v10, v13, _ =	vpop (xrf1);
	vm0 =	vge.f32 v5, v9  }
0x62: {  	v7 =	vperm.xlane v7, v4;
	v15, v52, _ =	vpop (xrf1);
	v6 =	vsel vm0, v6, v14  }
0x63: {  	v8 =	vperm.xlane v8, v4;
	v5 =	vsel vm0, v5, v9;
	v53, v18, _ =	vpop (xrf1)  }
0x64: {  	vm0 =	vge.f32 v10, v7;
	(xrf1) =	vsort.dscd.msk.f32 $0xffff, v5, v6;
	v9, v14, _ =	vpop (xrf1);
	v5 =	vperm.xlane v53, v4  }
0x65: {  	v7 =	vsel vm0, v10, v7;
	v8 =	vsel vm0, v13, v8;
	v10 =	vperm.xlane v18, v4;
	v6, v54, _ =	vpop (xrf1)  }
0x66: {  	(xrf1) =	vsort.dscd.msk.f32 $0xffff, v7, v8;
	v14 =	vperm.xlane v14, v4;
	vm0 =	vge.f32 v6, v5  }
0x67: {  	v7 =	vperm.xlane v9, v4;
	v13, v55, _ =	vpop (xrf1);
	v5 =	vsel vm0, v6, v5;
	v6 =	vsel vm0, v54, v10  }
0x68: {  	v8, v9, _ =	vpop (xrf1);
	(xrf1) =	vsort.dscd.msk.f32 $0xffff, v5, v6;
	v5 =	vperm.xlane v13, v4  }
0x69: {  	v18 =	vperm.xlane v55, v4;
	v10, v17, _ =	vpop (xrf1);
	vm0 =	vge.f32 v8, v7  }
0x6a: {  	v7 =	vsel vm0, v8, v7;
	v8 =	vsel vm0, v9, v14;
	v6, v13, _ =	vpop (xrf1);
	vm0 =	vge.f32 v10, v5  }
0x6b: {  	v9, v14, _ =	vpop (xrf1);
	v5 =	vsel vm0, v10, v5;
	v10 =	vsel vm0, v17, v18;
	_ =	sdelay $0x1  }
0x6c: {  	(xrf1) =	vsort.dscd.msk.f32 $0xffff, v7, v8;
	v7 =	vperm.xlane v9, v4;
	v8, v9, _ =	vpop (xrf1)  }
0x6d: {  	v14 =	vperm.xlane v14, v4;
	v17, v18, _ =	vpop (xrf1)  }
0x6e: {  	(xrf1) =	vsort.dscd.msk.f32 $0xffff, v5, v10;
	v5 =	vperm.xlane v8, v4;
	vm0 =	vge.f32 v17, v7;
	v8, v10, _ =	vpop (xrf1)  }
0x6f: {  	v9 =	vperm.xlane v9, v4;
	v7 =	vsel vm0, v17, v7;
	v14 =	vsel vm0, v18, v14;
	v56, v57, _ =	vpop (xrf1)  }
0x70: {  	(xrf1) =	vsort.dscd.msk.f32 $0xffff, v7, v14;
	vm0 =	vge.f32 v56, v5  }
0x71: {  	v5 =	vsel vm0, v56, v5;
	v7 =	vsel vm0, v57, v9  }
0x72: {  	(xrf1) =	vsort.dscd.msk.f32 $0xffff, v5, v7;
	_ =	sdelay $0x6  }
0x73: {  	v5, v7, _ =	vpop (xrf1)  }
0x74: {  	v10 =	vperm.xlane v10, v4;
	v9, v14, _ =	vpop (xrf1)  }
0x75: {  	v8 =	vperm.xlane v8, v4;
	v58, v59, _ =	vpop (xrf1)  }
0x76: {  	v19, v20, _ =	vpop (xrf1)  }
0x77: {  	vm0 =	vge.f32 v5, v8;
	v17 =	vperm.xlane v58, v4;
	v21, v22, _ =	vpop (xrf1)  }
0x78: {  	v5 =	vsel vm0, v5, v8;
	v7 =	vsel vm0, v7, v10;
	v8 =	vperm.xlane v59, v4;
	v10, v60, _ =	vpop (xrf1)  }
0x79: {  	(xrf1) =	vsort.dscd.msk.f32 $0xffff, v5, v7;
	vm0 =	vge.f32 v19, v17;
	v5 =	vperm.xlane v10, v4  }
0x7a: {  	v7 =	vsel vm0, v19, v17;
	v8 =	vsel vm0, v20, v8;
	v10 =	vperm.xlane v60, v4;
	v61, v62, _ =	vpop (xrf1)  }
0x7b: {  	(xrf1) =	vsort.dscd.msk.f32 $0xffff, v7, v8;
	vm0 =	vge.f32 v61, v5  }
0x7c: {  	v5 =	vsel vm0, v61, v5;
	v7 =	vsel vm0, v62, v10  }
0x7d: {  	(xrf1) =	vsort.dscd.msk.f32 $0xffff, v5, v7  }
0x7e: {  	[tilespmem:s14+$0x8000] =	vst v11  }
0x7f: {  	[tilespmem:s14+$0x10000] =	vst v12  }
0x80: {  	[tilespmem:s15+$0x8000] =	vst v15  }
0x81: {  	[tilespmem:s15+$0x10000] =	vst v52  }
0x82: {  	[tilespmem:s16+$0x8000] =	vst v6  }
0x83: {  	[tilespmem:s16+$0x10000] =	vst v13  }
0x84: {  	[tilespmem:s17+$0x8000] =	vst v9  }
0x85: {  	[tilespmem:s17+$0x10000] =	vst v14  }
0x86: {  	[tilespmem:s18+$0x8000] =	vst v21  }
0x87: {  	[tilespmem:s18+$0x10000] =	vst v22;
	v5, v6, _ =	vpop (xrf1)  }
0x88: {  	[tilespmem:s19+$0x8000] =	vst v5  }
0x89: {  	[tilespmem:s19+$0x10000] =	vst v6;
	v5, v6, _ =	vpop (xrf1)  }
0x8a: {  	[tilespmem:s20+$0x8000] =	vst v5  }
0x8b: {  	[tilespmem:s20+$0x10000] =	vst v6;
	v5, v6, _ =	vpop (xrf1)  }
0x8c: {  	[tilespmem:s21+$0x8000] =	vst v5  }
0x8d: {  	[tilespmem:s21+$0x10000] =	vst v6  }
0x8e: {  	_ =	swait.ge [sflag:s10], $0x4000  }
0x8f: {  	[sflag:s10] =	ssyncset.done $0x0  }
0x90: {  	s14 =	simm.s32 $0x0;
	[sflag:s10] =	ssyncadd.s32 $0xFFFFC000  }
0x91: {  	v5 =	vld [tilespmem:s14+$0x4030]  }
0x92: {  	v6 =	vld [tilespmem:s14+$0x4010]  }
0x93: {  	v7 =	vld [tilespmem:s14+$0x4020];
	_ =	sdelay $0x1  }
0x94: {  	v8 =	vld [tilespmem:s14+$0x4000]  }
0x95: {  	(xrf1) =	vsort.dscd.msk.f32 $0xffff, v5, v3  }
0x96: {  	(xrf1) =	vsort.dscd.msk.f32 $0xffff, v6, v1  }
0x97: {  	(xrf1) =	vsort.dscd.msk.f32 $0xffff, v7, v2;
	_ =	sdelay $0x1  }
0x98: {  	s15 =	simm.s32 $0x80;
	(xrf1) =	vsort.dscd.msk.f32 $0xffff, v8, v0  }
0x99: {  	v5 =	vld [tilespmem:s15+$0x4030]  }
0x9a: {  	v6 =	vld [tilespmem:s15+$0x4010]  }
0x9b: {  	v7 =	vld [tilespmem:s15+$0x4020];
	_ =	sdelay $0x1  }
0x9c: {  	v8 =	vld [tilespmem:s15+$0x4000]  }
0x9d: {  	s16 =	simm.s32 $0x100;
	(xrf1) =	vsort.dscd.msk.f32 $0xffff, v5, v3  }
0x9e: {  	v5 =	vld [tilespmem:s16+$0x4030];
	(xrf1) =	vsort.dscd.msk.f32 $0xffff, v6, v1  }
0x9f: {  	v6 =	vld [tilespmem:s16+$0x4010];
	(xrf1) =	vsort.dscd.msk.f32 $0xffff, v7, v2  }
0xa0: {  	v7 =	vld [tilespmem:s16+$0x4020]  }
0xa1: {  	(xrf1) =	vsort.dscd.msk.f32 $0xffff, v8, v0;
	v8, v9, _ =	vpop (xrf1)  }
0xa2: {  	v8 =	vperm.xlane v8, v4;
	v11, v12, _ =	vpop (xrf1)  }
0xa3: {  	(xrf1) =	vsort.dscd.msk.f32 $0xffff, v5, v3;
	v5 =	vperm.xlane v9, v4;
	v9, v13, _ =	vpop (xrf1)  }
0xa4: {  	v10 =	vld [tilespmem:s16+$0x4000];
	(xrf1) =	vsort.dscd.msk.f32 $0xffff, v6, v1;
	v6 =	vperm.xlane v11, v4;
	vm0 =	vge.f32 v9, v8  }
0xa5: {  	(xrf1) =	vsort.dscd.msk.f32 $0xffff, v7, v2;
	v7 =	vperm.xlane v12, v4;
	v8 =	vsel vm0, v9, v8;
	v9, v11, _ =	vpop (xrf1)  }
0xa6: {  	s17 =	simm.s32 $0x180;
	v5 =	vsel vm0, v13, v5;
	vm0 =	vge.f32 v9, v6  }
0xa7: {  	v12 =	vld [tilespmem:s17+$0x4030];
	v7 =	vsel vm0, v11, v7  }
0xa8: {  	(xrf1) =	vsort.dscd.msk.f32 $0xffff, v8, v5;
	v5 =	vld [tilespmem:s17+$0x4010];
	v6 =	vsel vm0, v9, v6  }
0xa9: {  	v8 =	vld [tilespmem:s17+$0x4020];
	(xrf1) =	vsort.dscd.msk.f32 $0xffff, v10, v0  }
0xaa: {  	(xrf1) =	vsort.dscd.msk.f32 $0xffff, v6, v7  }
0xab: {  	v6, v7, _ =	vpop (xrf1)  }
0xac: {  	v9 =	vld [tilespmem:s17+$0x4000];
	(xrf1) =	vsort.dscd.msk.f32 $0xffff, v12, v3;
	v6 =	vperm.xlane v6, v4;
	v10, v11, _ =	vpop (xrf1)  }
0xad: {  	(xrf1) =	vsort.dscd.msk.f32 $0xffff, v5, v1;
	v7 =	vperm.xlane v7, v4;
	v12, v13, _ =	vpop (xrf1)  }
0xae: {  	s18 =	simm.s32 $0x200;
	(xrf1) =	vsort.dscd.msk.f32 $0xffff, v8, v2;
	vm0 =	vge.f32 v12, v6  }
0xaf: {  	v5 =	vperm.xlane v10, v4;
	v6 =	vsel vm0, v12, v6;
	v7 =	vsel vm0, v13, v7;
	v12 =	vld [tilespmem:s18+$0x4030]  }
0xb0: {  	v8 =	vperm.xlane v11, v4;
	v10, v11, _ =	vpop (xrf1);
	(xrf1) =	vsort.dscd.msk.f32 $0xffff, v6, v7;
	v6 =	vld [tilespmem:s18+$0x4010]  }
0xb1: {  	vm0 =	vge.f32 v10, v5;
	v7 =	vld [tilespmem:s18+$0x4020];
	(xrf1) =	vsort.dscd.msk.f32 $0xffff, v9, v0  }
0xb2: {  	v5 =	vsel vm0, v10, v5;
	v8 =	vsel vm0, v11, v8;
	v9, v10, _ =	vpop (xrf1)  }
0xb3: {  	(xrf1) =	vsort.dscd.msk.f32 $0xffff, v5, v8;
	v5 =	vld [tilespmem:s18+$0x4000];
	v8 =	vperm.xlane v9, v4;
	v9, v11, _ =	vpop (xrf1)  }
0xb4: {  	v10 =	vperm.xlane v10, v4;
	(xrf1) =	vsort.dscd.msk.f32 $0xffff, v12, v3;
	v12, v13, _ =	vpop (xrf1)  }
0xb5: {  	v9 =	vperm.xlane v9, v4;
	(xrf1) =	vsort.dscd.msk.f32 $0xffff, v6, v1;
	vm0 =	vge.f32 v12, v8  }
0xb6: {  	s19 =	simm.s32 $0x280;
	v6, v14, _ =	vpop (xrf1);
	(xrf1) =	vsort.dscd.msk.f32 $0xffff, v7, v2;
	v7 =	vsel vm0, v12, v8;
	v8 =	vsel vm0, v13, v10  }
0xb7: {  	v10 =	vperm.xlane v11, v4;
	v11, v12, _ =	vpop (xrf1);
	v13 =	vld [tilespmem:s19+$0x4030];
	v6 =	vperm.xlane v6, v4;
	(xrf1) =	vsort.dscd.msk.f32 $0xffff, v7, v8  }
0xb8: {  	v7 =	vperm.xlane v14, v4;
	v8 =	vld [tilespmem:s19+$0x4010];
	vm0 =	vge.f32 v11, v9;
	(xrf1) =	vsort.dscd.msk.f32 $0xffff, v5, v0;
	v5, v14, _ =	vpop (xrf1)  }
0xb9: {  	v15 =	vld [tilespmem:s19+$0x4020];
	v9 =	vsel vm0, v11, v9;
	v10 =	vsel vm0, v12, v10;
	vm0 =	vge.f32 v5, v6  }
0xba: {  	v11, v12, _ =	vpop (xrf1);
	(xrf1) =	vsort.dscd.msk.f32 $0xffff, v9, v10;
	v5 =	vsel vm0, v5, v6;
	v6 =	vsel vm0, v14, v7  }
0xbb: {  	(xrf1) =	vsort.dscd.msk.f32 $0xffff, v5, v6  }
0xbc: {  	v7 =	vld [tilespmem:s19+$0x4000];
	v9 =	vperm.xlane v11, v4;
	v10, v11, _ =	vpop (xrf1);
	(xrf1) =	vsort.dscd.msk.f32 $0xffff, v13, v3  }
0xbd: {  	v5 =	vperm.xlane v12, v4;
	v6, v12, _ =	vpop (xrf1);
	(xrf1) =	vsort.dscd.msk.f32 $0xffff, v8, v1  }
0xbe: {  	v10 =	vperm.xlane v10, v4;
	vm0 =	vge.f32 v6, v9;
	v8, v13, _ =	vpop (xrf1);
	(xrf1) =	vsort.dscd.msk.f32 $0xffff, v15, v2  }
0xbf: {  	v6 =	vsel vm0, v6, v9;
	v5 =	vsel vm0, v12, v5;
	v9 =	vperm.xlane v11, v4;
	v11, v12, _ =	vpop (xrf1)  }
0xc0: {  	s20 =	simm.s32 $0x300;
	(xrf1) =	vsort.dscd.msk.f32 $0xffff, v6, v5;
	v5 =	vperm.xlane v8, v4;
	vm0 =	vge.f32 v11, v10  }
0xc1: {  	v14 =	vld [tilespmem:s20+$0x4030];
	v6 =	vperm.xlane v13, v4;
	(xrf1) =	vsort.dscd.msk.f32 $0xffff, v7, v0;
	v7, v13, _ =	vpop (xrf1);
	v10 =	vsel vm0, v11, v10  }
0xc2: {  	v8 =	vld [tilespmem:s20+$0x4010];
	v9 =	vsel vm0, v12, v9;
	vm0 =	vge.f32 v7, v5  }
0xc3: {  	v15 =	vld [tilespmem:s20+$0x4020];
	v6 =	vsel vm0, v13, v6  }
0xc4: {  	v11, v12, _ =	vpop (xrf1);
	(xrf1) =	vsort.dscd.msk.f32 $0xffff, v10, v9;
	v5 =	vsel vm0, v7, v5  }
0xc5: {  	v13 =	vld [tilespmem:s20+$0x4000];
	v9 =	vperm.xlane v11, v4;
	(xrf1) =	vsort.dscd.msk.f32 $0xffff, v5, v6;
	v7, v10, _ =	vpop (xrf1)  }
0xc6: {  	v5 =	vperm.xlane v12, v4;
	(xrf1) =	vsort.dscd.msk.f32 $0xffff, v14, v3;
	v6, v11, _ =	vpop (xrf1)  }
0xc7: {  	(xrf1) =	vsort.dscd.msk.f32 $0xffff, v8, v1;
	vm0 =	vge.f32 v6, v9  }
0xc8: {  	(xrf1) =	vsort.dscd.msk.f32 $0xffff, v15, v2;
	v6 =	vsel vm0, v6, v9;
	v9 =	vsel vm0, v11, v5  }
0xc9: {  	(xrf1) =	vsort.dscd.msk.f32 $0xffff, v6, v9  }
0xca: {  	(xrf1) =	vsort.dscd.msk.f32 $0xffff, v13, v0;
	_ =	sdelay $0x3  }
0xcb: {  	s21 =	simm.s32 $0x380;
	v7 =	vperm.xlane v7, v4;
	v14, v63, _ =	vpop (xrf1)  }
0xcc: {  	v8 =	vperm.xlane v10, v4;
	v12, v11, _ =	vpop (xrf1);
	v5 =	vld [tilespmem:s21+$0x4030];
	v9 =	vperm.xlane v14, v4  }
0xcd: {  	s22 =	simm.s32 $0x1000;
	v10 =	vperm.xlane v63, v4;
	v6 =	vld [tilespmem:s21+$0x4010];
	vm0 =	vge.f32 v12, v7;
	v14, v13, _ =	vpop (xrf1)  }
.LBB2_4:
0xce: {  	p0 =	sne.s32 s22, $0xFE00;
	v15 =	vld [tilespmem:s21+$0x4020];
	v7 =	vsel vm0, v12, v7;
	v8 =	vsel vm0, v11, v8;
	vm0 =	vge.f32 v14, v9;
	v11, v12, _ =	vpop (xrf1);
	s23 =	smov.u32 s22;
	s22 =	sadd.s32 $0x200, s22  }
0xcf: {  	v16 =	vld [tilespmem:s21+$0x4000];
	v17, v18, _ =	vpop (xrf1);
	(xrf1) =	vsort.dscd.msk.f32 $0xffff, v7, v8;
	v7 =	vsel vm0, v14, v9;
	v8 =	vsel vm0, v13, v10;
	[tilespmem:s14+$0xC000] =	vst v11  }
0xd0: {  	v9 =	vperm.xlane v17, v4;
	v10, v11, _ =	vpop (xrf1);
	(xrf1) =	vsort.dscd.msk.f32 $0xffff, v7, v8;
	[tilespmem:s14+$0x14000] =	vst v12;
	s14 =	smov.u32 s15;
	s15 =	smov.u32 s16;
	s16 =	smov.u32 s17  }
.Ltmp1:
0xd1: {  	s17 =	smov.u32 s18;
	s18 =	smov.u32 s19;
	(xrf1) =	vsort.dscd.msk.f32 $0xffff, v5, v3;
	v7 =	vperm.xlane v10, v4;
	v5 =	vperm.xlane v18, v4;
	v10, v12, _ =	vpop (xrf1);
	(pc) =	sbr.rel @p0 .LBB2_4-.Ltmp1, $4  }
0xd2: {  	s19 =	smov.u32 s20;
	s20 =	smov.u32 s21;
	v8 =	vperm.xlane v11, v4;
	(xrf1) =	vsort.dscd.msk.f32 $0xffff, v6, v1;
	vm0 =	vge.f32 v10, v9;
	v6, v13, _ =	vpop (xrf1)  }
0xd3: {  	s21 =	sshra.s32 s23, $0x2;
	(xrf1) =	vsort.dscd.msk.f32 $0xffff, v15, v2;
	v9 =	vsel vm0, v10, v9;
	v10 =	vsel vm0, v12, v5;
	v12, v11, _ =	vpop (xrf1)  }
0xd4: {  	v5 =	vld [tilespmem:s21+$0x4030];
	(xrf1) =	vsort.dscd.msk.f32 $0xffff, v9, v10;
	v9 =	vperm.xlane v6, v4;
	v10 =	vperm.xlane v13, v4  }
0xd5: {  	vm0 =	vge.f32 v12, v7;
	v6 =	vld [tilespmem:s21+$0x4010];
	(xrf1) =	vsort.dscd.msk.f32 $0xffff, v16, v0;
	v14, v13, _ =	vpop (xrf1)  }
0xd6: {  	v7 =	vsel vm0, v12, v7;
	v8 =	vsel vm0, v11, v8;
	vm4 =	vge.f32 v14, v9  }
0xd7: {  	v24, v12, _ =	vpop (xrf1);
	(xrf1) =	vsort.dscd.msk.f32 $0xffff, v7, v8;
	v7 =	vsel vm4, v14, v9  }
0xd8: {  	v16, v17, _ =	vpop (xrf1)  }
0xd9: {  	v25 =	vsel vm4, v13, v10;
	v27 =	vperm.xlane v16, v4;
	v29, v28, _ =	vpop (xrf1)  }
0xda: {  	v15 =	vld [tilespmem:s21+$0x4020];
	(xrf1) =	vsort.dscd.msk.f32 $0xffff, v7, v25;
	v7, v8, _ =	vpop (xrf1)  }
0xdb: {  	(xrf1) =	vsort.dscd.msk.f32 $0xffff, v5, v3;
	v5 =	vperm.xlane v17, v4;
	vm5 =	vge.f32 v7, v27  }
0xdc: {  	v26 =	vld [tilespmem:s21+$0x4000];
	(xrf1) =	vsort.dscd.msk.f32 $0xffff, v6, v1;
	v6 =	vsel vm5, v7, v27  }
0xdd: {  	v5 =	vsel vm5, v8, v5;
	_ =	sdelay $0x1  }
0xde: {  	v31 =	vperm.xlane v29, v4;
	(xrf1) =	vsort.dscd.msk.f32 $0xffff, v15, v2;
	v7, v30, _ =	vpop (xrf1)  }
0xdf: {  	v14 =	vperm.xlane v28, v4;
	(xrf1) =	vsort.dscd.msk.f32 $0xffff, v6, v5;
	v5, v6, _ =	vpop (xrf1)  }
0xe0: {  	(xrf1) =	vsort.dscd.msk.f32 $0xffff, v26, v0;
	v32, v33, _ =	vpop (xrf1);
	vm6 =	vge.f32 v5, v31  }
0xe1: {  	v35, v34, _ =	vpop (xrf1);
	v6 =	vsel vm6, v6, v14  }
0xe2: {  	v7 =	vperm.xlane v7, v4;
	v5 =	vsel vm6, v5, v31;
	v36, v18, _ =	vpop (xrf1)  }
0xe3: {  	(xrf1) =	vsort.dscd.msk.f32 $0xffff, v5, v6;
	v37, v38, _ =	vpop (xrf1);
	v5 =	vperm.xlane v36, v4  }
0xe4: {  	v8 =	vperm.xlane v30, v4;
	vm7 =	vge.f32 v32, v7;
	v40 =	vperm.xlane v18, v4;
	v6, v39, _ =	vpop (xrf1)  }
0xe5: {  	v7 =	vsel vm7, v32, v7;
	v14 =	vperm.xlane v38, v4;
	vm8 =	vge.f32 v6, v5  }
0xe6: {  	v8 =	vsel vm7, v33, v8;
	v41, v42, _ =	vpop (xrf1);
	v5 =	vsel vm8, v6, v5;
	v6 =	vsel vm8, v39, v40  }
0xe7: {  	(xrf1) =	vsort.dscd.msk.f32 $0xffff, v7, v8;
	v7 =	vperm.xlane v37, v4;
	v43, v44, _ =	vpop (xrf1);
	v18 =	vperm.xlane v42, v4  }
0xe8: {  	v10, v17, _ =	vpop (xrf1)  }
0xe9: {  	(xrf1) =	vsort.dscd.msk.f32 $0xffff, v5, v6;
	v5 =	vperm.xlane v41, v4;
	vm9 =	vge.f32 v43, v7;
	v6, v45, _ =	vpop (xrf1)  }
0xea: {  	v7 =	vsel vm9, v43, v7;
	v46 =	vsel vm9, v44, v14;
	v9, v14, _ =	vpop (xrf1)  }
0xeb: {  	vm10 =	vge.f32 v10, v5;
	(xrf1) =	vsort.dscd.msk.f32 $0xffff, v7, v46;
	v7 =	vperm.xlane v9, v4;
	v47, v48, _ =	vpop (xrf1)  }
0xec: {  	v5 =	vsel vm10, v10, v5;
	v49 =	vsel vm10, v17, v18;
	v14 =	vperm.xlane v14, v4;
	v17, v18, _ =	vpop (xrf1)  }
0xed: {  	(xrf1) =	vsort.dscd.msk.f32 $0xffff, v5, v49;
	v5 =	vperm.xlane v47, v4;
	vm11 =	vge.f32 v17, v7;
	v51, v50, _ =	vpop (xrf1)  }
0xee: {  	v9 =	vperm.xlane v48, v4;
	v7 =	vsel vm11, v17, v7;
	v14 =	vsel vm11, v18, v14;
	v52, v53, _ =	vpop (xrf1)  }
0xef: {  	(xrf1) =	vsort.dscd.msk.f32 $0xffff, v7, v14;
	vm12 =	vge.f32 v52, v5  }
0xf0: {  	v5 =	vsel vm12, v52, v5;
	v7 =	vsel vm12, v53, v9  }
0xf1: {  	(xrf1) =	vsort.dscd.msk.f32 $0xffff, v5, v7;
	_ =	sdelay $0x6  }
0xf2: {  	v5, v7, _ =	vpop (xrf1)  }
0xf3: {  	v55, v54, _ =	vpop (xrf1)  }
0xf4: {  	v8 =	vperm.xlane v51, v4;
	v56, v57, _ =	vpop (xrf1)  }
0xf5: {  	v10 =	vperm.xlane v50, v4;
	v19, v20, _ =	vpop (xrf1)  }
0xf6: {  	vm13 =	vge.f32 v5, v8;
	v17 =	vperm.xlane v56, v4;
	v21, v22, _ =	vpop (xrf1)  }
0xf7: {  	v5 =	vsel vm13, v5, v8;
	v7 =	vsel vm13, v7, v10;
	v58 =	vperm.xlane v57, v4;
	v59, v60, _ =	vpop (xrf1)  }
0xf8: {  	(xrf1) =	vsort.dscd.msk.f32 $0xffff, v5, v7;
	vm14 =	vge.f32 v19, v17;
	v5 =	vperm.xlane v59, v4  }
0xf9: {  	v7 =	vsel vm14, v19, v17;
	v8 =	vsel vm14, v20, v58;
	v61 =	vperm.xlane v60, v4;
	v62, v63, _ =	vpop (xrf1)  }
0xfa: {  	(xrf1) =	vsort.dscd.msk.f32 $0xffff, v7, v8;
	vm15 =	vge.f32 v62, v5  }
0xfb: {  	v5 =	vsel vm15, v62, v5;
	v7 =	vsel vm15, v63, v61  }
0xfc: {  	(xrf1) =	vsort.dscd.msk.f32 $0xffff, v5, v7  }
0xfd: {  	[tilespmem:s14+$0xC000] =	vst v24  }
0xfe: {  	[tilespmem:s14+$0x14000] =	vst v12  }
0xff: {  	[tilespmem:s15+$0xC000] =	vst v35  }
0x100: {  	[tilespmem:s15+$0x14000] =	vst v34  }
0x101: {  	[tilespmem:s16+$0xC000] =	vst v6  }
0x102: {  	[tilespmem:s16+$0x14000] =	vst v45  }
0x103: {  	[tilespmem:s17+$0xC000] =	vst v55  }
0x104: {  	[tilespmem:s17+$0x14000] =	vst v54  }
0x105: {  	[tilespmem:s18+$0xC000] =	vst v21  }
0x106: {  	[tilespmem:s18+$0x14000] =	vst v22;
	v5, v6, _ =	vpop (xrf1)  }
0x107: {  	[tilespmem:s19+$0xC000] =	vst v5  }
0x108: {  	[tilespmem:s19+$0x14000] =	vst v6;
	v5, v6, _ =	vpop (xrf1)  }
0x109: {  	[tilespmem:s20+$0xC000] =	vst v5  }
0x10a: {  	[tilespmem:s20+$0x14000] =	vst v6;
	v5, v6, _ =	vpop (xrf1)  }
0x10b: {  	[tilespmem:s21+$0xC000] =	vst v5  }
0x10c: {  	[tilespmem:s21+$0x14000] =	vst v6  }
0x10d: {  	[hbm4b:s5+s2] =	stream.linear.scatter [tilespmem:s11], [sflag:$0x1], $0x8000, $0x38;
	[tilespmem:$0x18000] =	vst v63  }
0x10e: {  	s13 =	sadd.s32 $0x1, s13  }
0x10f: {  	[hbm4b:s6+s2] =	stream.linear.scatter [tilespmem:s12], [sflag:$0x2], $0x8000, $0x38;
	[tilespmem:$0x18000] =	vst v63  }
0x110: {  	p0 =	sne.s32 s13, s7;
	_ =	swait.ge [sflag:s9], $0x8000  }
.Ltmp2:
0x111: {  	[sflag:s9] =	ssyncset.done $0x0;
	(pc) =	sbr.rel @p0 .LBB2_1-.Ltmp2, $4  }
0x112: {  	[sflag:s9] =	ssyncadd.s32 $0xFFFF8000  }
0x113: {  	_ =	swait.ge [sflag:s10], $0x8000  }
0x114: {  	[sflag:s10] =	ssyncset.done $0x0  }
0x115: {  	[sflag:s10] =	ssyncadd.s32 $0xFFFF8000  }
0x116: {  	_ =	sfence.sel $0x180000  }
0x117: {  	[bflag:$0x0] =	sbarrier.arrive $0xFFFF  }
0x118: {  	p0 =	sne.s32 s1, $0x0;
	_ =	strace $0x90000047  }
0x119: {  	s0 =	sadd.s32 @!p0 $0x100000, s0;
	[bflag:$0x2] =	sbarrier.arrive $0xFFFF  }
0x11a: {  	[sflag:s0] =	ssyncadd.tile.s32 @!p0 $0x1;
	_ =	shalt  }
.Lfunc_end2:
_tile_overlayer_lowered:
.L_overlay_start_2:
0x11b: {  	(tag) =	ssettag $0x2  }
0x11c: {  	s0 =	rddreg [dreg:$0x0];
	s2 =	stileid.u32  }
0x11d: {  	s1 =	rddreg [dreg:$0x1];
	p0 =	sne.s32 s2, $0x0  }
0x11e: {  	s3 =	rddreg [dreg:$0x2];
	[bflag:$0x3] =	sbarrier.arrive $0xFFFF;
	s2 =	simm.s32 @!p0 $0x1C03  }
0x11f: {  	[timem:s3], [sflag:s2] =	dma.local @!p0 [hbm:s0], s1  }
0x120: {  	s0 =	simm.s32 @!p0 $0x3  }
0x121: {  	_ =	swait.ge @!p0 [sflag:s0], s1  }
0x122: {  	s1 =	ssub.s32 @!p0 $0x0, s1;
	[sflag:s0] =	ssyncset.done @!p0 $0x0  }
0x123: {  	[sflag:s0] =	ssyncadd.s32 @!p0 s1  }
0x124: {  	[bflag:$0x3] =	sbarrier.arrive $0xFFFF  }
0x125: {  	_ =	shalt  }

</sc_bundles>
